<compile_context>
chip_gen: v7x
topology: tpu7x:2x2x1
jax: 0.10.2.dev20260603
libtpu: 0.0.44.dev20260713+nightly
codegen_flags: <defaults>
</compile_context>

<pallas_src>
import numpy as np
import jax
import jax.numpy as jnp
from jax import lax
from jax.experimental import pallas as pl
from jax.experimental.pallas import tpu as pltpu
from jax.experimental.pallas import tpu_sc as plsc

_N = 5000
_NPAD = 5120
_NCH = 320
_K = 100
_NEG = -1e30
_CLIP = float(np.float32(np.log(1333.0 / 16.0)))


def _sc_body(inp_hbm, out_hbm, chan_v, x1_v, y1_v, x2_v, y2_v, ar_v, wk_v,
             cs_v, sn_v, out_v):
    cid = lax.axis_index("c")
    sid = lax.axis_index("s")

    @pl.when((cid == 0) & (sid == 0))
    def _():
        pltpu.sync_copy(inp_hbm, chan_v)
        lane = lax.iota(jnp.int32, 16)
        lanef = lane.astype(jnp.float32)
        zv = jnp.zeros((16,), jnp.float32)

        def dec(j, _):
            r = j // 8
            sl = pl.ds((j % 8) * 16, 16)
            px1 = chan_v[0, r, sl]
            py1 = chan_v[1, r, sl]
            px2 = chan_v[2, r, sl]
            py2 = chan_v[3, r, sl]
            tx = chan_v[4, r, sl] / 10.0
            ty = chan_v[5, r, sl] / 10.0
            tw = chan_v[6, r, sl] / 5.0
            th = chan_v[7, r, sl] / 5.0
            score = chan_v[8, r, sl]
            wa = px2 - px1
            ha = py2 - py1
            xa = (px2 + px1) * 0.5
            ya = (py2 + py1) * 0.5
            wb = jnp.exp(jnp.minimum(tw, _CLIP)) * wa
            hb = jnp.exp(jnp.minimum(th, _CLIP)) * ha
            xb = tx * wa + xa
            yb = ty * ha + ya
            x1 = jnp.clip(xb - wb * 0.5, 0.0, 1024.0)
            y1 = jnp.clip(yb - hb * 0.5, 0.0, 1024.0)
            x2 = jnp.clip(xb + wb * 0.5, 0.0, 1024.0)
            y2 = jnp.clip(yb + hb * 0.5, 0.0, 1024.0)
            area = jnp.maximum(x2 - x1, 0.0) * jnp.maximum(y2 - y1, 0.0)
            gidx = j * 16 + lane
            valid = (score > 0.05) & ((x2 - x1) * (y2 - y1) > 0.0) & (gidx < _N)
            x1_v[r, sl] = x1
            y1_v[r, sl] = y1
            x2_v[r, sl] = x2
            y2_v[r, sl] = y2
            ar_v[r, sl] = area
            wk_v[r, sl] = jnp.where(valid, score, _NEG)
            cs_v[r, sl] = chan_v[9, r, sl]
            sn_v[r, sl] = chan_v[10, r, sl]
            return 0

        lax.fori_loop(0, _NCH, dec, 0)

        def fold(a, b):
            take = (b[0] > a[0]) | ((b[0] == a[0]) & (b[1] < a[1]))
            return tuple(jnp.where(take, q, p) for p, q in zip(a, b))

        neg_carry = (jnp.full((16,), _NEG, jnp.float32),
                     jnp.full((16,), 1e9, jnp.float32),
                     zv, zv, zv, zv, zv, zv)

        def supp(bx1, by1, bx2, by2, bar):
            def body(j, carry):
                r = j // 8
                sl = pl.ds((j % 8) * 16, 16)
                cx1 = x1_v[r, sl]
                cy1 = y1_v[r, sl]
                cx2 = x2_v[r, sl]
                cy2 = y2_v[r, sl]
                xx1 = jnp.maximum(cx1, bx1)
                yy1 = jnp.maximum(cy1, by1)
                xx2 = jnp.minimum(cx2, bx2)
                yy2 = jnp.minimum(cy2, by2)
                inter = (jnp.maximum(xx2 - xx1, 0.0)
                         * jnp.maximum(yy2 - yy1, 0.0))
                union = ar_v[r, sl] + bar - inter
                iou = inter / jnp.maximum(union, 1e-8)
                w = jnp.where(iou >= 0.5, _NEG, wk_v[r, sl])
                wk_v[r, sl] = w
                cand = (w, j * 16.0 + lanef, cx1, cy1, cx2, cy2,
                        cs_v[r, sl], sn_v[r, sl])
                return fold(carry, cand)

            return lax.fori_loop(0, _NCH, body, neg_carry)

        def permute(v, perm):
            return lax.gather(
                v, perm[:, None],
                lax.GatherDimensionNumbers(offset_dims=(),
                                           collapsed_slice_dims=(0,),
                                           start_index_map=(0,)),
                (1,), mode=lax.GatherScatterMode.PROMISE_IN_BOUNDS)

        def lanefold(carry):
            for sh in (8, 4, 2, 1):
                perm = (lane + sh) % 16
                carry = fold(carry, tuple(permute(c, perm) for c in carry))
            return carry

        def nms(i, carry):
            m, _fi, bx1, by1, bx2, by2, bco, bsi = lanefold(carry)
            vf = jnp.where(m > _NEG * 0.5, 1.0, 0.0)
            vals = jnp.where(
                lane == 0, bx1,
                jnp.where(lane == 1, by1,
                          jnp.where(lane == 2, bx2,
                                    jnp.where(lane == 3, by2,
                                              jnp.where(lane == 4, 1.0,
                                                        jnp.where(lane == 5, m,
                                                                  jnp.where(lane == 6, bco, bsi))))))) * vf
            out_v[i, :] = vals
            bar = jnp.maximum(bx2 - bx1, 0.0) * jnp.maximum(by2 - by1, 0.0)
            return supp(bx1, by1, bx2, by2, bar)

        carry0 = supp(zv, zv, zv, zv, zv)
        lax.fori_loop(0, _K, nms, carry0)
        pltpu.sync_copy(out_v, out_hbm)


def kernel(proposals, box_logits, label_logits, box_cos_logits, box_sin_logits):
    x = jnp.concatenate([proposals, box_logits, label_logits[:, 1:2],
                         box_cos_logits[:, None], box_sin_logits[:, None]],
                        axis=1)
    x = jnp.pad(x, ((0, _NPAD - _N), (0, 0)))
    inp = x.T.reshape(11, 40, 128)
    mesh = plsc.VectorSubcoreMesh(core_axis_name="c", subcore_axis_name="s")
    f = pl.kernel(
        _sc_body, mesh=mesh,
        out_type=jax.ShapeDtypeStruct((_K, 16), jnp.float32),
        scratch_types=[
            pltpu.VMEM((11, 40, 128), jnp.float32),
            pltpu.VMEM((40, 128), jnp.float32),
            pltpu.VMEM((40, 128), jnp.float32),
            pltpu.VMEM((40, 128), jnp.float32),
            pltpu.VMEM((40, 128), jnp.float32),
            pltpu.VMEM((40, 128), jnp.float32),
            pltpu.VMEM((40, 128), jnp.float32),
            pltpu.VMEM((40, 128), jnp.float32),
            pltpu.VMEM((40, 128), jnp.float32),
            pltpu.VMEM((_K, 16), jnp.float32),
        ],
    )
    out = f(inp)
    return out[:, :8]

# --- scband reference (transcript-rebuilt; emitter-appended) ---
"""Pipeline reference for scband-maskrcnn-24395414241616 (READ-ONLY COPY).

The authoritative reference and input builder live on the scoring server;
editing this copy changes nothing except your own understanding.
"""

import jax, jax.numpy as jnp
import numpy as np

N = 5000
RESULTS_PER_IM = 100
NMS_THRESH = 0.5
SCORE_THRESH = 0.05
MAX_SIZE = 1333.0
IMG_H = 1024.0
IMG_W = 1024.0
NEG = -1e30
REG_WEIGHTS = np.array([10.0, 10.0, 5.0, 5.0], dtype=np.float32)


def setup_inputs(seed: int = 0) -> dict:
    key = jax.random.key(seed)
    k1, k2, k3, k4, k5 = jax.random.split(key, 5)
    raw = jax.random.uniform(k1, (N, 4), dtype=jnp.float32)
    x1 = raw[:, 0] * 800.0
    y1 = raw[:, 1] * 800.0
    w = raw[:, 2] * 200.0 + 8.0
    h = raw[:, 3] * 200.0 + 8.0
    proposals = jnp.stack([x1, y1, x1 + w, y1 + h], axis=1)
    box_logits = jax.random.normal(k2, (N, 4), dtype=jnp.float32)
    label_logits = jax.random.normal(k3, (N, 2), dtype=jnp.float32)
    box_cos_logits = jax.random.normal(k4, (N,), dtype=jnp.float32)
    box_sin_logits = jax.random.normal(k5, (N,), dtype=jnp.float32)
    return {"proposals": proposals, "box_logits": box_logits, "label_logits": label_logits,
            "box_cos_logits": box_cos_logits, "box_sin_logits": box_sin_logits}


def _decode_bbox_target(box_predictions, anchors):
    bp = jnp.reshape(box_predictions, (-1, 2, 2))
    txty = bp[:, 0, :]
    twth = bp[:, 1, :]
    a = jnp.reshape(anchors, (-1, 2, 2))
    a1 = a[:, 0, :]
    a2 = a[:, 1, :]
    waha = a2 - a1
    xaya = (a2 + a1) * 0.5
    clip = np.float32(np.log(MAX_SIZE / 16.0))
    wbhb = jnp.exp(jnp.minimum(twth, clip)) * waha
    xbyb = txty * waha + xaya
    x1y1 = xbyb - wbhb * 0.5
    x2y2 = xbyb + wbhb * 0.5
    return jnp.concatenate([x1y1, x2y2], axis=1)


def _clip_boxes(boxes):
    return jnp.stack([
        jnp.clip(boxes[:, 0], 0.0, IMG_H),
        jnp.clip(boxes[:, 1], 0.0, IMG_W),
        jnp.clip(boxes[:, 2], 0.0, IMG_H),
        jnp.clip(boxes[:, 3], 0.0, IMG_W)], axis=1)


def _iou_matrix(boxes):
    x1, y1, x2, y2 = boxes[:, 0], boxes[:, 1], boxes[:, 2], boxes[:, 3]
    areas = jnp.maximum(x2 - x1, 0.0) * jnp.maximum(y2 - y1, 0.0)
    xx1 = jnp.maximum(x1[:, None], x1[None, :])
    yy1 = jnp.maximum(y1[:, None], y1[None, :])
    xx2 = jnp.minimum(x2[:, None], x2[None, :])
    yy2 = jnp.minimum(y2[:, None], y2[None, :])
    inter = jnp.maximum(xx2 - xx1, 0.0) * jnp.maximum(yy2 - yy1, 0.0)
    union = areas[:, None] + areas[None, :] - inter
    return inter / jnp.maximum(union, 1e-8)


def _forward(proposals, box_logits, label_logits, box_cos_logits, box_sin_logits):
    reg_w = jnp.asarray(REG_WEIGHTS)
    refined = _decode_bbox_target(box_logits / reg_w, proposals)
    refined = _clip_boxes(refined)
    class_scores = label_logits[:, 1]
    w = refined[:, 2] - refined[:, 0]
    h = refined[:, 3] - refined[:, 1]
    valid_mask = (class_scores > SCORE_THRESH) & (w * h > 0.0)
    work = jnp.where(valid_mask, class_scores, NEG)
    ious = _iou_matrix(refined)

    def body(i, state):
        ws, idxs, valids = state
        best = jnp.argmax(ws)
        valid = ws[best] > (NEG * 0.5)
        idxs = idxs.at[i].set(best.astype(jnp.int32))
        valids = valids.at[i].set(valid.astype(jnp.float32))
        ws = jnp.where(ious[best] >= NMS_THRESH, NEG, ws)
        return (ws, idxs, valids)

    idxs0 = jnp.zeros((RESULTS_PER_IM,), dtype=jnp.int32)
    valids0 = jnp.zeros((RESULTS_PER_IM,), dtype=jnp.float32)
    _, keep_idx, keep_valid = jax.lax.fori_loop(0, RESULTS_PER_IM, body, (work, idxs0, valids0))

    boxes_k = refined[keep_idx] * keep_valid[:, None]
    scores_k = class_scores[keep_idx] * keep_valid
    ids_k = keep_valid  # class_id = 1 for valid detections, 0 padding
    cos_k = box_cos_logits[keep_idx] * keep_valid
    sin_k = box_sin_logits[keep_idx] * keep_valid
    detections = jnp.concatenate([
        boxes_k, ids_k[:, None], scores_k[:, None], cos_k[:, None], sin_k[:, None]], axis=1)
    return detections


def reference(proposals, box_logits, label_logits, box_cos_logits, box_sin_logits):
    return _forward(proposals, box_logits, label_logits, box_cos_logits, box_sin_logits)

if __name__ == "__main__":
    import jax
    _d = setup_inputs()
    print(jax.jit(kernel)(*tuple(_d.values())))

</pallas_src>

<mosaic_0001>
#map = affine_map<(d0, d1) -> (0, 0, 0)>
#map1 = affine_map<(d0, d1) -> (0, 0)>
module attributes {stable_mosaic.version = 14 : i64} {
  func.func @_sc_body(%arg0: i32, %arg1: i32, %arg2: memref<11x40x128xf32, #tpu.memory_space<hbm>>, %arg3: memref<100x16xf32, #tpu.memory_space<hbm>>, %arg4: memref<11x40x128xf32, #tpu.memory_space<vmem>>, %arg5: memref<40x128xf32, #tpu.memory_space<vmem>>, %arg6: memref<40x128xf32, #tpu.memory_space<vmem>>, %arg7: memref<40x128xf32, #tpu.memory_space<vmem>>, %arg8: memref<40x128xf32, #tpu.memory_space<vmem>>, %arg9: memref<40x128xf32, #tpu.memory_space<vmem>>, %arg10: memref<40x128xf32, #tpu.memory_space<vmem>>, %arg11: memref<40x128xf32, #tpu.memory_space<vmem>>, %arg12: memref<40x128xf32, #tpu.memory_space<vmem>>, %arg13: memref<100x16xf32, #tpu.memory_space<vmem>>) attributes {dimension_semantics = [#tpu.dimension_semantics<core_parallel>, #tpu.dimension_semantics<subcore_parallel>], iteration_bounds = array<i64: 2, 16>, scalar_prefetch = 0 : i64, scratch_operands = 10 : i64, tpu.core_type = #tpu.core_type<sc_vector_subcore>, window_params = [{transform_indices = #map}, {transform_indices = #map1}]} {
    %eq3A = arith.constant 0 : i32
    %eq3A_0 = arith.cmpi eq, %arg0, %eq3A : i32
    %eq3A_1 = arith.constant 0 : i32
    %eq3A_2 = arith.cmpi eq, %arg1, %eq3A_1 : i32
    %and3A = arith.andi %eq3A_0, %eq3A_2 : i1
    %convert_element_type3A = arith.extui %and3A : i1 to i32
    %cond3A = arith.constant 0 : i32
    %cond3A_3 = arith.cmpi ne, %convert_element_type3A, %cond3A : i32
    scf.if %cond3A_3 {
      "tpu.region"() ({
        %run_scoped3A = tpu.sem_alloc : memref<!tpu.dma_semaphore, #tpu.memory_space<semaphore_mem>>
        tpu.enqueue_dma source(%arg2 : memref<11x40x128xf32, #tpu.memory_space<hbm>>) target(%arg4 : memref<11x40x128xf32, #tpu.memory_space<vmem>>) target_semaphore(%run_scoped3A : memref<!tpu.dma_semaphore, #tpu.memory_space<semaphore_mem>>)
        tpu.wait_dma2 semaphore(%run_scoped3A : memref<!tpu.dma_semaphore, #tpu.memory_space<semaphore_mem>>) src(%arg2 : memref<11x40x128xf32, #tpu.memory_space<hbm>>) dst(%arg4 : memref<11x40x128xf32, #tpu.memory_space<vmem>>)
        tpu.yield
      }) : () -> ()
      %iota3A = tpu.iota {dimensions = array<i32: 0>} : vector<16xi32>
      %convert_element_type3A_4 = arith.sitofp %iota3A : vector<16xi32> to vector<16xf32>
      %broadcast_in_dim3A = arith.constant 0.000000e+00 : f32
      %broadcast_in_dim3A_5 = vector.broadcast %broadcast_in_dim3A : f32 to vector<16xf32>
      %scan3A = arith.constant 0 : i32
      %scan3A_6 = arith.constant 0 : i32
      %scan3A_7 = arith.constant 320 : i32
      %scan3A_8 = arith.addi %scan3A_6, %scan3A_7 : i32
      %scan3A_9 = arith.constant 1 : i32
      %scan3A_10 = scf.for %scan3A_28 = %scan3A_6 to %scan3A_8 step %scan3A_9 iter_args(%scan3A_29 = %scan3A) -> (i32)  : i32 {
        %jit3A = arith.constant 8 : i32
        %div3A = arith.divsi %scan3A_28, %jit3A : i32
        %sign3A = arith.constant 0 : i32
        %sign3A_30 = arith.cmpi sgt, %scan3A_28, %sign3A : i32
        %sign3A_31 = arith.extui %sign3A_30 : i1 to i32
        %sign3A_32 = arith.constant 0 : i32
        %sign3A_33 = arith.cmpi slt, %scan3A_28, %sign3A_32 : i32
        %sign3A_34 = arith.extui %sign3A_33 : i1 to i32
        %sign3A_35 = arith.subi %sign3A_31, %sign3A_34 : i32
        %sign3A_36 = arith.constant 0 : i32
        %sign3A_37 = arith.cmpi sgt, %jit3A, %sign3A_36 : i32
        %sign3A_38 = arith.extui %sign3A_37 : i1 to i32
        %sign3A_39 = arith.constant 0 : i32
        %sign3A_40 = arith.cmpi slt, %jit3A, %sign3A_39 : i32
        %sign3A_41 = arith.extui %sign3A_40 : i1 to i32
        %sign3A_42 = arith.subi %sign3A_38, %sign3A_41 : i32
        %ne3A = arith.cmpi ne, %sign3A_35, %sign3A_42 : i32
        %rem3A = arith.remsi %scan3A_28, %jit3A : i32
        %ne3A_43 = arith.constant 0 : i32
        %ne3A_44 = arith.cmpi ne, %rem3A, %ne3A_43 : i32
        %and3A_45 = arith.andi %ne3A, %ne3A_44 : i1
        %sub3A = arith.constant 1 : i32
        %sub3A_46 = arith.subi %div3A, %sub3A : i32
        %select_n3A = arith.select %and3A_45, %sub3A_46, %div3A : i32
        %jit3A_47 = arith.constant 8 : i32
        %eq3A_48 = arith.constant 0 : i32
        %eq3A_49 = arith.cmpi eq, %jit3A_47, %eq3A_48 : i32
        %jit3A_50 = arith.constant 1 : i32
        %select_n3A_51 = arith.select %eq3A_49, %jit3A_50, %jit3A_47 : i32
        %rem3A_52 = arith.remsi %scan3A_28, %select_n3A_51 : i32
        %ne3A_53 = arith.constant 0 : i32
        %ne3A_54 = arith.cmpi ne, %rem3A_52, %ne3A_53 : i32
        %lt3A = arith.constant 0 : i32
        %lt3A_55 = arith.cmpi slt, %rem3A_52, %lt3A : i32
        %lt3A_56 = arith.constant 0 : i32
        %lt3A_57 = arith.cmpi slt, %select_n3A_51, %lt3A_56 : i32
        %ne3A_58 = arith.xori %lt3A_55, %lt3A_57 : i1
        %and3A_59 = arith.andi %ne3A_58, %ne3A_54 : i1
        %add3A = arith.addi %rem3A_52, %select_n3A_51 : i32
        %select_n3A_60 = arith.select %and3A_59, %add3A, %rem3A_52 : i32
        %mul3A = arith.constant 16 : i32
        %mul3A_61 = arith.muli %select_n3A_60, %mul3A : i32
        %get3A = arith.constant 0 : i32
        %get3A_62 = arith.index_cast %get3A : i32 to index
        %get3A_63 = arith.index_cast %select_n3A : i32 to index
        %get3A_64 = arith.index_cast %mul3A_61 : i32 to index
        %get3A_65 = tpu.vector_load %arg4[%get3A_62, %get3A_63, %get3A_64] {strides = array<i32>} : memref<11x40x128xf32, #tpu.memory_space<vmem>>, vector<1x1x16xf32>,
        %get3A_66 = vector.shape_cast %get3A_65 : vector<1x1x16xf32> to vector<16xf32>
        %get3A_67 = arith.constant 1 : i32
        %get3A_68 = arith.index_cast %get3A_67 : i32 to index
        %get3A_69 = arith.index_cast %select_n3A : i32 to index
        %get3A_70 = arith.index_cast %mul3A_61 : i32 to index
        %get3A_71 = tpu.vector_load %arg4[%get3A_68, %get3A_69, %get3A_70] {strides = array<i32>} : memref<11x40x128xf32, #tpu.memory_space<vmem>>, vector<1x1x16xf32>,
        %get3A_72 = vector.shape_cast %get3A_71 : vector<1x1x16xf32> to vector<16xf32>
        %get3A_73 = arith.constant 2 : i32
        %get3A_74 = arith.index_cast %get3A_73 : i32 to index
        %get3A_75 = arith.index_cast %select_n3A : i32 to index
        %get3A_76 = arith.index_cast %mul3A_61 : i32 to index
        %get3A_77 = tpu.vector_load %arg4[%get3A_74, %get3A_75, %get3A_76] {strides = array<i32>} : memref<11x40x128xf32, #tpu.memory_space<vmem>>, vector<1x1x16xf32>,
        %get3A_78 = vector.shape_cast %get3A_77 : vector<1x1x16xf32> to vector<16xf32>
        %get3A_79 = arith.constant 3 : i32
        %get3A_80 = arith.index_cast %get3A_79 : i32 to index
        %get3A_81 = arith.index_cast %select_n3A : i32 to index
        %get3A_82 = arith.index_cast %mul3A_61 : i32 to index
        %get3A_83 = tpu.vector_load %arg4[%get3A_80, %get3A_81, %get3A_82] {strides = array<i32>} : memref<11x40x128xf32, #tpu.memory_space<vmem>>, vector<1x1x16xf32>,
        %get3A_84 = vector.shape_cast %get3A_83 : vector<1x1x16xf32> to vector<16xf32>
        %get3A_85 = arith.constant 4 : i32
        %get3A_86 = arith.index_cast %get3A_85 : i32 to index
        %get3A_87 = arith.index_cast %select_n3A : i32 to index
        %get3A_88 = arith.index_cast %mul3A_61 : i32 to index
        %get3A_89 = tpu.vector_load %arg4[%get3A_86, %get3A_87, %get3A_88] {strides = array<i32>} : memref<11x40x128xf32, #tpu.memory_space<vmem>>, vector<1x1x16xf32>,
        %get3A_90 = vector.shape_cast %get3A_89 : vector<1x1x16xf32> to vector<16xf32>
        %div3A_91 = arith.constant 1.000000e+01 : f32
        %div3A_92 = vector.broadcast %div3A_91 : f32 to vector<16xf32>
        %div3A_93 = arith.divf %get3A_90, %div3A_92 : vector<16xf32>
        %get3A_94 = arith.constant 5 : i32
        %get3A_95 = arith.index_cast %get3A_94 : i32 to index
        %get3A_96 = arith.index_cast %select_n3A : i32 to index
        %get3A_97 = arith.index_cast %mul3A_61 : i32 to index
        %get3A_98 = tpu.vector_load %arg4[%get3A_95, %get3A_96, %get3A_97] {strides = array<i32>} : memref<11x40x128xf32, #tpu.memory_space<vmem>>, vector<1x1x16xf32>,
        %get3A_99 = vector.shape_cast %get3A_98 : vector<1x1x16xf32> to vector<16xf32>
        %div3A_100 = arith.constant 1.000000e+01 : f32
        %div3A_101 = vector.broadcast %div3A_100 : f32 to vector<16xf32>
        %div3A_102 = arith.divf %get3A_99, %div3A_101 : vector<16xf32>
        %get3A_103 = arith.constant 6 : i32
        %get3A_104 = arith.index_cast %get3A_103 : i32 to index
        %get3A_105 = arith.index_cast %select_n3A : i32 to index
        %get3A_106 = arith.index_cast %mul3A_61 : i32 to index
        %get3A_107 = tpu.vector_load %arg4[%get3A_104, %get3A_105, %get3A_106] {strides = array<i32>} : memref<11x40x128xf32, #tpu.memory_space<vmem>>, vector<1x1x16xf32>,
        %get3A_108 = vector.shape_cast %get3A_107 : vector<1x1x16xf32> to vector<16xf32>
        %div3A_109 = arith.constant 5.000000e+00 : f32
        %div3A_110 = vector.broadcast %div3A_109 : f32 to vector<16xf32>
        %div3A_111 = arith.divf %get3A_108, %div3A_110 : vector<16xf32>
        %get3A_112 = arith.constant 7 : i32
        %get3A_113 = arith.index_cast %get3A_112 : i32 to index
        %get3A_114 = arith.index_cast %select_n3A : i32 to index
        %get3A_115 = arith.index_cast %mul3A_61 : i32 to index
        %get3A_116 = tpu.vector_load %arg4[%get3A_113, %get3A_114, %get3A_115] {strides = array<i32>} : memref<11x40x128xf32, #tpu.memory_space<vmem>>, vector<1x1x16xf32>,
        %get3A_117 = vector.shape_cast %get3A_116 : vector<1x1x16xf32> to vector<16xf32>
        %div3A_118 = arith.constant 5.000000e+00 : f32
        %div3A_119 = vector.broadcast %div3A_118 : f32 to vector<16xf32>
        %div3A_120 = arith.divf %get3A_117, %div3A_119 : vector<16xf32>
        %get3A_121 = arith.constant 8 : i32
        %get3A_122 = arith.index_cast %get3A_121 : i32 to index
        %get3A_123 = arith.index_cast %select_n3A : i32 to index
        %get3A_124 = arith.index_cast %mul3A_61 : i32 to index
        %get3A_125 = tpu.vector_load %arg4[%get3A_122, %get3A_123, %get3A_124] {strides = array<i32>} : memref<11x40x128xf32, #tpu.memory_space<vmem>>, vector<1x1x16xf32>,
        %get3A_126 = vector.shape_cast %get3A_125 : vector<1x1x16xf32> to vector<16xf32>
        %sub3A_127 = arith.subf %get3A_78, %get3A_66 : vector<16xf32>
        %sub3A_128 = arith.subf %get3A_84, %get3A_72 : vector<16xf32>
        %add3A_129 = arith.addf %get3A_78, %get3A_66 : vector<16xf32>
        %mul3A_130 = arith.constant 5.000000e-01 : f32
        %mul3A_131 = vector.broadcast %mul3A_130 : f32 to vector<16xf32>
        %mul3A_132 = arith.mulf %add3A_129, %mul3A_131 : vector<16xf32>
        %add3A_133 = arith.addf %get3A_84, %get3A_72 : vector<16xf32>
        %mul3A_134 = arith.constant 5.000000e-01 : f32
        %mul3A_135 = vector.broadcast %mul3A_134 : f32 to vector<16xf32>
        %mul3A_136 = arith.mulf %add3A_133, %mul3A_135 : vector<16xf32>
        %min3A = arith.constant 4.42259836 : f32
        %min3A_137 = vector.broadcast %min3A : f32 to vector<16xf32>
        %min3A_138 = arith.minimumf %div3A_111, %min3A_137 : vector<16xf32>
        %exp3A = math.exp %min3A_138 : vector<16xf32>
        %mul3A_139 = arith.mulf %exp3A, %sub3A_127 : vector<16xf32>
        %min3A_140 = arith.constant 4.42259836 : f32
        %min3A_141 = vector.broadcast %min3A_140 : f32 to vector<16xf32>
        %min3A_142 = arith.minimumf %div3A_120, %min3A_141 : vector<16xf32>
        %exp3A_143 = math.exp %min3A_142 : vector<16xf32>
        %mul3A_144 = arith.mulf %exp3A_143, %sub3A_128 : vector<16xf32>
        %mul3A_145 = arith.mulf %div3A_93, %sub3A_127 : vector<16xf32>
        %add3A_146 = arith.addf %mul3A_145, %mul3A_132 : vector<16xf32>
        %mul3A_147 = arith.mulf %div3A_102, %sub3A_128 : vector<16xf32>
        %add3A_148 = arith.addf %mul3A_147, %mul3A_136 : vector<16xf32>
        %mul3A_149 = arith.constant 5.000000e-01 : f32
        %mul3A_150 = vector.broadcast %mul3A_149 : f32 to vector<16xf32>
        %mul3A_151 = arith.mulf %mul3A_139, %mul3A_150 : vector<16xf32>
        %sub3A_152 = arith.subf %add3A_146, %mul3A_151 : vector<16xf32>
        %jit3A_153 = arith.constant 0.000000e+00 : f32
        %jit3A_154 = arith.constant 1.024000e+03 : f32
        %max3A = vector.broadcast %jit3A_153 : f32 to vector<16xf32>
        %max3A_155 = arith.maximumf %max3A, %sub3A_152 : vector<16xf32>
        %min3A_156 = vector.broadcast %jit3A_154 : f32 to vector<16xf32>
        %min3A_157 = arith.minimumf %min3A_156, %max3A_155 : vector<16xf32>
        %mul3A_158 = arith.constant 5.000000e-01 : f32
        %mul3A_159 = vector.broadcast %mul3A_158 : f32 to vector<16xf32>
        %mul3A_160 = arith.mulf %mul3A_144, %mul3A_159 : vector<16xf32>
        %sub3A_161 = arith.subf %add3A_148, %mul3A_160 : vector<16xf32>
        %jit3A_162 = arith.constant 0.000000e+00 : f32
        %jit3A_163 = arith.constant 1.024000e+03 : f32
        %max3A_164 = vector.broadcast %jit3A_162 : f32 to vector<16xf32>
        %max3A_165 = arith.maximumf %max3A_164, %sub3A_161 : vector<16xf32>
        %min3A_166 = vector.broadcast %jit3A_163 : f32 to vector<16xf32>
        %min3A_167 = arith.minimumf %min3A_166, %max3A_165 : vector<16xf32>
        %mul3A_168 = arith.constant 5.000000e-01 : f32
        %mul3A_169 = vector.broadcast %mul3A_168 : f32 to vector<16xf32>
        %mul3A_170 = arith.mulf %mul3A_139, %mul3A_169 : vector<16xf32>
        %add3A_171 = arith.addf %add3A_146, %mul3A_170 : vector<16xf32>
        %jit3A_172 = arith.constant 0.000000e+00 : f32
        %jit3A_173 = arith.constant 1.024000e+03 : f32
        %max3A_174 = vector.broadcast %jit3A_172 : f32 to vector<16xf32>
        %max3A_175 = arith.maximumf %max3A_174, %add3A_171 : vector<16xf32>
        %min3A_176 = vector.broadcast %jit3A_173 : f32 to vector<16xf32>
        %min3A_177 = arith.minimumf %min3A_176, %max3A_175 : vector<16xf32>
        %mul3A_178 = arith.constant 5.000000e-01 : f32
        %mul3A_179 = vector.broadcast %mul3A_178 : f32 to vector<16xf32>
        %mul3A_180 = arith.mulf %mul3A_144, %mul3A_179 : vector<16xf32>
        %add3A_181 = arith.addf %add3A_148, %mul3A_180 : vector<16xf32>
        %jit3A_182 = arith.constant 0.000000e+00 : f32
        %jit3A_183 = arith.constant 1.024000e+03 : f32
        %max3A_184 = vector.broadcast %jit3A_182 : f32 to vector<16xf32>
        %max3A_185 = arith.maximumf %max3A_184, %add3A_181 : vector<16xf32>
        %min3A_186 = vector.broadcast %jit3A_183 : f32 to vector<16xf32>
        %min3A_187 = arith.minimumf %min3A_186, %max3A_185 : vector<16xf32>
        %sub3A_188 = arith.subf %min3A_177, %min3A_157 : vector<16xf32>
        %max3A_189 = arith.constant 0.000000e+00 : f32
        %max3A_190 = vector.broadcast %max3A_189 : f32 to vector<16xf32>
        %max3A_191 = arith.maximumf %sub3A_188, %max3A_190 : vector<16xf32>
        %sub3A_192 = arith.subf %min3A_187, %min3A_167 : vector<16xf32>
        %max3A_193 = arith.constant 0.000000e+00 : f32
        %max3A_194 = vector.broadcast %max3A_193 : f32 to vector<16xf32>
        %max3A_195 = arith.maximumf %sub3A_192, %max3A_194 : vector<16xf32>
        %mul3A_196 = arith.mulf %max3A_191, %max3A_195 : vector<16xf32>
        %mul3A_197 = arith.constant 16 : i32
        %mul3A_198 = arith.muli %scan3A_28, %mul3A_197 : i32
        %add3A_199 = vector.broadcast %mul3A_198 : i32 to vector<16xi32>
        %add3A_200 = arith.addi %add3A_199, %iota3A : vector<16xi32>
        %gt3A = arith.constant 5.000000e-02 : f32
        %gt3A_201 = vector.broadcast %gt3A : f32 to vector<16xf32>
        %gt3A_202 = arith.cmpf ogt, %get3A_126, %gt3A_201 : vector<16xf32>
        %sub3A_203 = arith.subf %min3A_177, %min3A_157 : vector<16xf32>
        %sub3A_204 = arith.subf %min3A_187, %min3A_167 : vector<16xf32>
        %mul3A_205 = arith.mulf %sub3A_203, %sub3A_204 : vector<16xf32>
        %gt3A_206 = arith.constant 0.000000e+00 : f32
        %gt3A_207 = vector.broadcast %gt3A_206 : f32 to vector<16xf32>
        %gt3A_208 = arith.cmpf ogt, %mul3A_205, %gt3A_207 : vector<16xf32>
        %and3A_209 = arith.andi %gt3A_202, %gt3A_208 : vector<16xi1>
        %lt3A_210 = arith.constant 5000 : i32
        %lt3A_211 = vector.broadcast %lt3A_210 : i32 to vector<16xi32>
        %lt3A_212 = arith.cmpi slt, %add3A_200, %lt3A_211 : vector<16xi32>
        %and3A_213 = arith.andi %and3A_209, %lt3A_212 : vector<16xi1>
        %swap3A = arith.index_cast %select_n3A : i32 to index
        %swap3A_214 = arith.index_cast %mul3A_61 : i32 to index
        %swap3A_215 = tpu.vector_load %arg5[%swap3A, %swap3A_214] {strides = array<i32>} : memref<40x128xf32, #tpu.memory_space<vmem>>, vector<1x16xf32>,
        %swap3A_216 = vector.shape_cast %swap3A_215 : vector<1x16xf32> to vector<16xf32>
        %swap3A_217 = vector.shape_cast %min3A_157 : vector<16xf32> to vector<1x16xf32>
        tpu.vector_store %arg5[%swap3A, %swap3A_214], %swap3A_217 {strides = array<i32>} : memref<40x128xf32, #tpu.memory_space<vmem>>, vector<1x16xf32>,
        %swap3A_218 = arith.index_cast %select_n3A : i32 to index
        %swap3A_219 = arith.index_cast %mul3A_61 : i32 to index
        %swap3A_220 = tpu.vector_load %arg6[%swap3A_218, %swap3A_219] {strides = array<i32>} : memref<40x128xf32, #tpu.memory_space<vmem>>, vector<1x16xf32>,
        %swap3A_221 = vector.shape_cast %swap3A_220 : vector<1x16xf32> to vector<16xf32>
        %swap3A_222 = vector.shape_cast %min3A_167 : vector<16xf32> to vector<1x16xf32>
        tpu.vector_store %arg6[%swap3A_218, %swap3A_219], %swap3A_222 {strides = array<i32>} : memref<40x128xf32, #tpu.memory_space<vmem>>, vector<1x16xf32>,
        %swap3A_223 = arith.index_cast %select_n3A : i32 to index
        %swap3A_224 = arith.index_cast %mul3A_61 : i32 to index
        %swap3A_225 = tpu.vector_load %arg7[%swap3A_223, %swap3A_224] {strides = array<i32>} : memref<40x128xf32, #tpu.memory_space<vmem>>, vector<1x16xf32>,
        %swap3A_226 = vector.shape_cast %swap3A_225 : vector<1x16xf32> to vector<16xf32>
        %swap3A_227 = vector.shape_cast %min3A_177 : vector<16xf32> to vector<1x16xf32>
        tpu.vector_store %arg7[%swap3A_223, %swap3A_224], %swap3A_227 {strides = array<i32>} : memref<40x128xf32, #tpu.memory_space<vmem>>, vector<1x16xf32>,
        %swap3A_228 = arith.index_cast %select_n3A : i32 to index
        %swap3A_229 = arith.index_cast %mul3A_61 : i32 to index
        %swap3A_230 = tpu.vector_load %arg8[%swap3A_228, %swap3A_229] {strides = array<i32>} : memref<40x128xf32, #tpu.memory_space<vmem>>, vector<1x16xf32>,
        %swap3A_231 = vector.shape_cast %swap3A_230 : vector<1x16xf32> to vector<16xf32>
        %swap3A_232 = vector.shape_cast %min3A_187 : vector<16xf32> to vector<1x16xf32>
        tpu.vector_store %arg8[%swap3A_228, %swap3A_229], %swap3A_232 {strides = array<i32>} : memref<40x128xf32, #tpu.memory_space<vmem>>, vector<1x16xf32>,
        %swap3A_233 = arith.index_cast %select_n3A : i32 to index
        %swap3A_234 = arith.index_cast %mul3A_61 : i32 to index
        %swap3A_235 = tpu.vector_load %arg9[%swap3A_233, %swap3A_234] {strides = array<i32>} : memref<40x128xf32, #tpu.memory_space<vmem>>, vector<1x16xf32>,
        %swap3A_236 = vector.shape_cast %swap3A_235 : vector<1x16xf32> to vector<16xf32>
        %swap3A_237 = vector.shape_cast %mul3A_196 : vector<16xf32> to vector<1x16xf32>
        tpu.vector_store %arg9[%swap3A_233, %swap3A_234], %swap3A_237 {strides = array<i32>} : memref<40x128xf32, #tpu.memory_space<vmem>>, vector<1x16xf32>,
        %jit3A_238 = arith.constant -1.000000e+30 : f32
        %broadcast_in_dim3A_239 = vector.broadcast %jit3A_238 : f32 to vector<16xf32>
        %select_n3A_240 = arith.select %and3A_213, %get3A_126, %broadcast_in_dim3A_239 : vector<16xi1>, vector<16xf32>
        %swap3A_241 = arith.index_cast %select_n3A : i32 to index
        %swap3A_242 = arith.index_cast %mul3A_61 : i32 to index
        %swap3A_243 = tpu.vector_load %arg10[%swap3A_241, %swap3A_242] {strides = array<i32>} : memref<40x128xf32, #tpu.memory_space<vmem>>, vector<1x16xf32>,
        %swap3A_244 = vector.shape_cast %swap3A_243 : vector<1x16xf32> to vector<16xf32>
        %swap3A_245 = vector.shape_cast %select_n3A_240 : vector<16xf32> to vector<1x16xf32>
        tpu.vector_store %arg10[%swap3A_241, %swap3A_242], %swap3A_245 {strides = array<i32>} : memref<40x128xf32, #tpu.memory_space<vmem>>, vector<1x16xf32>,
        %get3A_246 = arith.constant 9 : i32
        %get3A_247 = arith.index_cast %get3A_246 : i32 to index
        %get3A_248 = arith.index_cast %select_n3A : i32 to index
        %get3A_249 = arith.index_cast %mul3A_61 : i32 to index
        %get3A_250 = tpu.vector_load %arg4[%get3A_247, %get3A_248, %get3A_249] {strides = array<i32>} : memref<11x40x128xf32, #tpu.memory_space<vmem>>, vector<1x1x16xf32>,
        %get3A_251 = vector.shape_cast %get3A_250 : vector<1x1x16xf32> to vector<16xf32>
        %swap3A_252 = arith.index_cast %select_n3A : i32 to index
        %swap3A_253 = arith.index_cast %mul3A_61 : i32 to index
        %swap3A_254 = tpu.vector_load %arg11[%swap3A_252, %swap3A_253] {strides = array<i32>} : memref<40x128xf32, #tpu.memory_space<vmem>>, vector<1x16xf32>,
        %swap3A_255 = vector.shape_cast %swap3A_254 : vector<1x16xf32> to vector<16xf32>
        %swap3A_256 = vector.shape_cast %get3A_251 : vector<16xf32> to vector<1x16xf32>
        tpu.vector_store %arg11[%swap3A_252, %swap3A_253], %swap3A_256 {strides = array<i32>} : memref<40x128xf32, #tpu.memory_space<vmem>>, vector<1x16xf32>,
        %get3A_257 = arith.constant 10 : i32
        %get3A_258 = arith.index_cast %get3A_257 : i32 to index
        %get3A_259 = arith.index_cast %select_n3A : i32 to index
        %get3A_260 = arith.index_cast %mul3A_61 : i32 to index
        %get3A_261 = tpu.vector_load %arg4[%get3A_258, %get3A_259, %get3A_260] {strides = array<i32>} : memref<11x40x128xf32, #tpu.memory_space<vmem>>, vector<1x1x16xf32>,
        %get3A_262 = vector.shape_cast %get3A_261 : vector<1x1x16xf32> to vector<16xf32>
        %swap3A_263 = arith.index_cast %select_n3A : i32 to index
        %swap3A_264 = arith.index_cast %mul3A_61 : i32 to index
        %swap3A_265 = tpu.vector_load %arg12[%swap3A_263, %swap3A_264] {strides = array<i32>} : memref<40x128xf32, #tpu.memory_space<vmem>>, vector<1x16xf32>,
        %swap3A_266 = vector.shape_cast %swap3A_265 : vector<1x16xf32> to vector<16xf32>
        %swap3A_267 = vector.shape_cast %get3A_262 : vector<16xf32> to vector<1x16xf32>
        tpu.vector_store %arg12[%swap3A_263, %swap3A_264], %swap3A_267 {strides = array<i32>} : memref<40x128xf32, #tpu.memory_space<vmem>>, vector<1x16xf32>,
        %scan3A_268 = arith.constant 0 : i32
        scf.yield %scan3A_268 : i32
      }
      %scan3A_11 = arith.constant 320 : i32
      %broadcast_in_dim3A_12 = arith.constant -1.000000e+30 : f32
      %broadcast_in_dim3A_13 = vector.broadcast %broadcast_in_dim3A_12 : f32 to vector<16xf32>
      %broadcast_in_dim3A_14 = arith.constant 1.000000e+09 : f32
      %broadcast_in_dim3A_15 = vector.broadcast %broadcast_in_dim3A_14 : f32 to vector<16xf32>
      %scan3A_16 = arith.constant 0 : i32
      %scan3A_17 = arith.constant 320 : i32
      %scan3A_18 = arith.addi %scan3A_16, %scan3A_17 : i32
      %scan3A_19 = arith.constant 1 : i32
      %scan3A_20:8 = scf.for %scan3A_28 = %scan3A_16 to %scan3A_18 step %scan3A_19 iter_args(%scan3A_29 = %broadcast_in_dim3A_13, %scan3A_30 = %broadcast_in_dim3A_15, %scan3A_31 = %broadcast_in_dim3A_5, %scan3A_32 = %broadcast_in_dim3A_5, %scan3A_33 = %broadcast_in_dim3A_5, %scan3A_34 = %broadcast_in_dim3A_5, %scan3A_35 = %broadcast_in_dim3A_5, %scan3A_36 = %broadcast_in_dim3A_5) -> (vector<16xf32>, vector<16xf32>, vector<16xf32>, vector<16xf32>, vector<16xf32>, vector<16xf32>, vector<16xf32>, vector<16xf32>)  : i32 {
        %jit3A = arith.constant 8 : i32
        %div3A = arith.divsi %scan3A_28, %jit3A : i32
        %sign3A = arith.constant 0 : i32
        %sign3A_37 = arith.cmpi sgt, %scan3A_28, %sign3A : i32
        %sign3A_38 = arith.extui %sign3A_37 : i1 to i32
        %sign3A_39 = arith.constant 0 : i32
        %sign3A_40 = arith.cmpi slt, %scan3A_28, %sign3A_39 : i32
        %sign3A_41 = arith.extui %sign3A_40 : i1 to i32
        %sign3A_42 = arith.subi %sign3A_38, %sign3A_41 : i32
        %sign3A_43 = arith.constant 0 : i32
        %sign3A_44 = arith.cmpi sgt, %jit3A, %sign3A_43 : i32
        %sign3A_45 = arith.extui %sign3A_44 : i1 to i32
        %sign3A_46 = arith.constant 0 : i32
        %sign3A_47 = arith.cmpi slt, %jit3A, %sign3A_46 : i32
        %sign3A_48 = arith.extui %sign3A_47 : i1 to i32
        %sign3A_49 = arith.subi %sign3A_45, %sign3A_48 : i32
        %ne3A = arith.cmpi ne, %sign3A_42, %sign3A_49 : i32
        %rem3A = arith.remsi %scan3A_28, %jit3A : i32
        %ne3A_50 = arith.constant 0 : i32
        %ne3A_51 = arith.cmpi ne, %rem3A, %ne3A_50 : i32
        %and3A_52 = arith.andi %ne3A, %ne3A_51 : i1
        %sub3A = arith.constant 1 : i32
        %sub3A_53 = arith.subi %div3A, %sub3A : i32
        %select_n3A = arith.select %and3A_52, %sub3A_53, %div3A : i32
        %jit3A_54 = arith.constant 8 : i32
        %eq3A_55 = arith.constant 0 : i32
        %eq3A_56 = arith.cmpi eq, %jit3A_54, %eq3A_55 : i32
        %jit3A_57 = arith.constant 1 : i32
        %select_n3A_58 = arith.select %eq3A_56, %jit3A_57, %jit3A_54 : i32
        %rem3A_59 = arith.remsi %scan3A_28, %select_n3A_58 : i32
        %ne3A_60 = arith.constant 0 : i32
        %ne3A_61 = arith.cmpi ne, %rem3A_59, %ne3A_60 : i32
        %lt3A = arith.constant 0 : i32
        %lt3A_62 = arith.cmpi slt, %rem3A_59, %lt3A : i32
        %lt3A_63 = arith.constant 0 : i32
        %lt3A_64 = arith.cmpi slt, %select_n3A_58, %lt3A_63 : i32
        %ne3A_65 = arith.xori %lt3A_62, %lt3A_64 : i1
        %and3A_66 = arith.andi %ne3A_65, %ne3A_61 : i1
        %add3A = arith.addi %rem3A_59, %select_n3A_58 : i32
        %select_n3A_67 = arith.select %and3A_66, %add3A, %rem3A_59 : i32
        %mul3A = arith.constant 16 : i32
        %mul3A_68 = arith.muli %select_n3A_67, %mul3A : i32
        %get3A = arith.index_cast %select_n3A : i32 to index
        %get3A_69 = arith.index_cast %mul3A_68 : i32 to index
        %get3A_70 = tpu.vector_load %arg5[%get3A, %get3A_69] {strides = array<i32>} : memref<40x128xf32, #tpu.memory_space<vmem>>, vector<1x16xf32>,
        %get3A_71 = vector.shape_cast %get3A_70 : vector<1x16xf32> to vector<16xf32>
        %get3A_72 = arith.index_cast %select_n3A : i32 to index
        %get3A_73 = arith.index_cast %mul3A_68 : i32 to index
        %get3A_74 = tpu.vector_load %arg6[%get3A_72, %get3A_73] {strides = array<i32>} : memref<40x128xf32, #tpu.memory_space<vmem>>, vector<1x16xf32>,
        %get3A_75 = vector.shape_cast %get3A_74 : vector<1x16xf32> to vector<16xf32>
        %get3A_76 = arith.index_cast %select_n3A : i32 to index
        %get3A_77 = arith.index_cast %mul3A_68 : i32 to index
        %get3A_78 = tpu.vector_load %arg7[%get3A_76, %get3A_77] {strides = array<i32>} : memref<40x128xf32, #tpu.memory_space<vmem>>, vector<1x16xf32>,
        %get3A_79 = vector.shape_cast %get3A_78 : vector<1x16xf32> to vector<16xf32>
        %get3A_80 = arith.index_cast %select_n3A : i32 to index
        %get3A_81 = arith.index_cast %mul3A_68 : i32 to index
        %get3A_82 = tpu.vector_load %arg8[%get3A_80, %get3A_81] {strides = array<i32>} : memref<40x128xf32, #tpu.memory_space<vmem>>, vector<1x16xf32>,
        %get3A_83 = vector.shape_cast %get3A_82 : vector<1x16xf32> to vector<16xf32>
        %max3A = arith.maximumf %get3A_71, %broadcast_in_dim3A_5 : vector<16xf32>
        %max3A_84 = arith.maximumf %get3A_75, %broadcast_in_dim3A_5 : vector<16xf32>
        %min3A = arith.minimumf %get3A_79, %broadcast_in_dim3A_5 : vector<16xf32>
        %min3A_85 = arith.minimumf %get3A_83, %broadcast_in_dim3A_5 : vector<16xf32>
        %sub3A_86 = arith.subf %min3A, %max3A : vector<16xf32>
        %max3A_87 = arith.constant 0.000000e+00 : f32
        %max3A_88 = vector.broadcast %max3A_87 : f32 to vector<16xf32>
        %max3A_89 = arith.maximumf %sub3A_86, %max3A_88 : vector<16xf32>
        %sub3A_90 = arith.subf %min3A_85, %max3A_84 : vector<16xf32>
        %max3A_91 = arith.constant 0.000000e+00 : f32
        %max3A_92 = vector.broadcast %max3A_91 : f32 to vector<16xf32>
        %max3A_93 = arith.maximumf %sub3A_90, %max3A_92 : vector<16xf32>
        %mul3A_94 = arith.mulf %max3A_89, %max3A_93 : vector<16xf32>
        %get3A_95 = arith.index_cast %select_n3A : i32 to index
        %get3A_96 = arith.index_cast %mul3A_68 : i32 to index
        %get3A_97 = tpu.vector_load %arg9[%get3A_95, %get3A_96] {strides = array<i32>} : memref<40x128xf32, #tpu.memory_space<vmem>>, vector<1x16xf32>,
        %get3A_98 = vector.shape_cast %get3A_97 : vector<1x16xf32> to vector<16xf32>
        %add3A_99 = arith.addf %get3A_98, %broadcast_in_dim3A_5 : vector<16xf32>
        %sub3A_100 = arith.subf %add3A_99, %mul3A_94 : vector<16xf32>
        %max3A_101 = arith.constant 9.99999993E-9 : f32
        %max3A_102 = vector.broadcast %max3A_101 : f32 to vector<16xf32>
        %max3A_103 = arith.maximumf %sub3A_100, %max3A_102 : vector<16xf32>
        %div3A_104 = arith.divf %mul3A_94, %max3A_103 : vector<16xf32>
        %ge3A = arith.constant 5.000000e-01 : f32
        %ge3A_105 = vector.broadcast %ge3A : f32 to vector<16xf32>
        %ge3A_106 = arith.cmpf oge, %div3A_104, %ge3A_105 : vector<16xf32>
        %get3A_107 = arith.index_cast %select_n3A : i32 to index
        %get3A_108 = arith.index_cast %mul3A_68 : i32 to index
        %get3A_109 = tpu.vector_load %arg10[%get3A_107, %get3A_108] {strides = array<i32>} : memref<40x128xf32, #tpu.memory_space<vmem>>, vector<1x16xf32>,
        %get3A_110 = vector.shape_cast %get3A_109 : vector<1x16xf32> to vector<16xf32>
        %jit3A_111 = arith.constant -1.000000e+30 : f32
        %broadcast_in_dim3A_112 = vector.broadcast %jit3A_111 : f32 to vector<16xf32>
        %select_n3A_113 = arith.select %ge3A_106, %broadcast_in_dim3A_112, %get3A_110 : vector<16xi1>, vector<16xf32>
        %swap3A = arith.index_cast %select_n3A : i32 to index
        %swap3A_114 = arith.index_cast %mul3A_68 : i32 to index
        %swap3A_115 = tpu.vector_load %arg10[%swap3A, %swap3A_114] {strides = array<i32>} : memref<40x128xf32, #tpu.memory_space<vmem>>, vector<1x16xf32>,
        %swap3A_116 = vector.shape_cast %swap3A_115 : vector<1x16xf32> to vector<16xf32>
        %swap3A_117 = vector.shape_cast %select_n3A_113 : vector<16xf32> to vector<1x16xf32>
        tpu.vector_store %arg10[%swap3A, %swap3A_114], %swap3A_117 {strides = array<i32>} : memref<40x128xf32, #tpu.memory_space<vmem>>, vector<1x16xf32>,
        %convert_element_type3A_118 = arith.sitofp %scan3A_28 : i32 to f32
        %mul3A_119 = arith.constant 1.600000e+01 : f32
        %mul3A_120 = arith.mulf %convert_element_type3A_118, %mul3A_119 : f32
        %add3A_121 = vector.broadcast %mul3A_120 : f32 to vector<16xf32>
        %add3A_122 = arith.addf %add3A_121, %convert_element_type3A_4 : vector<16xf32>
        %get3A_123 = arith.index_cast %select_n3A : i32 to index
        %get3A_124 = arith.index_cast %mul3A_68 : i32 to index
        %get3A_125 = tpu.vector_load %arg11[%get3A_123, %get3A_124] {strides = array<i32>} : memref<40x128xf32, #tpu.memory_space<vmem>>, vector<1x16xf32>,
        %get3A_126 = vector.shape_cast %get3A_125 : vector<1x16xf32> to vector<16xf32>
        %get3A_127 = arith.index_cast %select_n3A : i32 to index
        %get3A_128 = arith.index_cast %mul3A_68 : i32 to index
        %get3A_129 = tpu.vector_load %arg12[%get3A_127, %get3A_128] {strides = array<i32>} : memref<40x128xf32, #tpu.memory_space<vmem>>, vector<1x16xf32>,
        %get3A_130 = vector.shape_cast %get3A_129 : vector<1x16xf32> to vector<16xf32>
        %gt3A = arith.cmpf ogt, %select_n3A_113, %scan3A_29 : vector<16xf32>
        %eq3A_131 = arith.cmpf oeq, %select_n3A_113, %scan3A_29 : vector<16xf32>
        %lt3A_132 = arith.cmpf olt, %add3A_122, %scan3A_30 : vector<16xf32>
        %and3A_133 = arith.andi %eq3A_131, %lt3A_132 : vector<16xi1>
        %or3A = arith.ori %gt3A, %and3A_133 : vector<16xi1>
        %select_n3A_134 = arith.select %or3A, %select_n3A_113, %scan3A_29 : vector<16xi1>, vector<16xf32>
        %select_n3A_135 = arith.select %or3A, %add3A_122, %scan3A_30 : vector<16xi1>, vector<16xf32>
        %select_n3A_136 = arith.select %or3A, %get3A_71, %scan3A_31 : vector<16xi1>, vector<16xf32>
        %select_n3A_137 = arith.select %or3A, %get3A_75, %scan3A_32 : vector<16xi1>, vector<16xf32>
        %select_n3A_138 = arith.select %or3A, %get3A_79, %scan3A_33 : vector<16xi1>, vector<16xf32>
        %select_n3A_139 = arith.select %or3A, %get3A_83, %scan3A_34 : vector<16xi1>, vector<16xf32>
        %select_n3A_140 = arith.select %or3A, %get3A_126, %scan3A_35 : vector<16xi1>, vector<16xf32>
        %select_n3A_141 = arith.select %or3A, %get3A_130, %scan3A_36 : vector<16xi1>, vector<16xf32>
        scf.yield %select_n3A_134, %select_n3A_135, %select_n3A_136, %select_n3A_137, %select_n3A_138, %select_n3A_139, %select_n3A_140, %select_n3A_141 : vector<16xf32>, vector<16xf32>, vector<16xf32>, vector<16xf32>, vector<16xf32>, vector<16xf32>, vector<16xf32>, vector<16xf32>
      }
      %scan3A_21 = arith.constant 320 : i32
      %scan3A_22 = arith.constant 0 : i32
      %scan3A_23 = arith.constant 100 : i32
      %scan3A_24 = arith.addi %scan3A_22, %scan3A_23 : i32
      %scan3A_25 = arith.constant 1 : i32
      %scan3A_26:8 = scf.for %scan3A_28 = %scan3A_22 to %scan3A_24 step %scan3A_25 iter_args(%scan3A_29 = %scan3A_20#0, %scan3A_30 = %scan3A_20#1, %scan3A_31 = %scan3A_20#2, %scan3A_32 = %scan3A_20#3, %scan3A_33 = %scan3A_20#4, %scan3A_34 = %scan3A_20#5, %scan3A_35 = %scan3A_20#6, %scan3A_36 = %scan3A_20#7) -> (vector<16xf32>, vector<16xf32>, vector<16xf32>, vector<16xf32>, vector<16xf32>, vector<16xf32>, vector<16xf32>, vector<16xf32>)  : i32 {
        %add3A = arith.constant 8 : i32
        %add3A_37 = vector.broadcast %add3A : i32 to vector<16xi32>
        %add3A_38 = arith.addi %iota3A, %add3A_37 : vector<16xi32>
        %jit3A = arith.constant 16 : i32
        %eq3A_39 = arith.constant 0 : i32
        %eq3A_40 = arith.cmpi eq, %jit3A, %eq3A_39 : i32
        %jit3A_41 = arith.constant 1 : i32
        %select_n3A = arith.select %eq3A_40, %jit3A_41, %jit3A : i32
        %rem3A = vector.broadcast %select_n3A : i32 to vector<16xi32>
        %rem3A_42 = arith.remsi %add3A_38, %rem3A : vector<16xi32>
        %ne3A = arith.constant 0 : i32
        %ne3A_43 = vector.broadcast %ne3A : i32 to vector<16xi32>
        %ne3A_44 = arith.cmpi ne, %rem3A_42, %ne3A_43 : vector<16xi32>
        %lt3A = arith.constant 0 : i32
        %lt3A_45 = vector.broadcast %lt3A : i32 to vector<16xi32>
        %lt3A_46 = arith.cmpi slt, %rem3A_42, %lt3A_45 : vector<16xi32>
        %lt3A_47 = arith.constant 0 : i32
        %lt3A_48 = arith.cmpi slt, %select_n3A, %lt3A_47 : i32
        %ne3A_49 = vector.broadcast %lt3A_48 : i1 to vector<16xi1>
        %ne3A_50 = vector.broadcast %ne3A_49 : vector<16xi1> to vector<16xi1>
        %ne3A_51 = arith.xori %lt3A_46, %ne3A_50 : vector<16xi1>
        %and3A_52 = arith.andi %ne3A_51, %ne3A_44 : vector<16xi1>
        %add3A_53 = vector.broadcast %select_n3A : i32 to vector<16xi32>
        %add3A_54 = arith.addi %rem3A_42, %add3A_53 : vector<16xi32>
        %select_n3A_55 = arith.select %and3A_52, %add3A_54, %rem3A_42 : vector<16xi1>, vector<16xi32>
        %broadcast_in_dim3A_56 = vector.shape_cast %select_n3A_55 : vector<16xi32> to vector<16x1xi32>
        %gather3A = vector.shape_cast %broadcast_in_dim3A_56 : vector<16x1xi32> to vector<16xi32>
        %gather3A_57 = tpu.dynamic_gather %scan3A_29[%gather3A] in [0] : vector<16xf32>, vector<16xi32> -> vector<16xf32>
        %broadcast_in_dim3A_58 = vector.shape_cast %select_n3A_55 : vector<16xi32> to vector<16x1xi32>
        %gather3A_59 = vector.shape_cast %broadcast_in_dim3A_58 : vector<16x1xi32> to vector<16xi32>
        %gather3A_60 = tpu.dynamic_gather %scan3A_30[%gather3A_59] in [0] : vector<16xf32>, vector<16xi32> -> vector<16xf32>
        %broadcast_in_dim3A_61 = vector.shape_cast %select_n3A_55 : vector<16xi32> to vector<16x1xi32>
        %gather3A_62 = vector.shape_cast %broadcast_in_dim3A_61 : vector<16x1xi32> to vector<16xi32>
        %gather3A_63 = tpu.dynamic_gather %scan3A_31[%gather3A_62] in [0] : vector<16xf32>, vector<16xi32> -> vector<16xf32>
        %broadcast_in_dim3A_64 = vector.shape_cast %select_n3A_55 : vector<16xi32> to vector<16x1xi32>
        %gather3A_65 = vector.shape_cast %broadcast_in_dim3A_64 : vector<16x1xi32> to vector<16xi32>
        %gather3A_66 = tpu.dynamic_gather %scan3A_32[%gather3A_65] in [0] : vector<16xf32>, vector<16xi32> -> vector<16xf32>
        %broadcast_in_dim3A_67 = vector.shape_cast %select_n3A_55 : vector<16xi32> to vector<16x1xi32>
        %gather3A_68 = vector.shape_cast %broadcast_in_dim3A_67 : vector<16x1xi32> to vector<16xi32>
        %gather3A_69 = tpu.dynamic_gather %scan3A_33[%gather3A_68] in [0] : vector<16xf32>, vector<16xi32> -> vector<16xf32>
        %broadcast_in_dim3A_70 = vector.shape_cast %select_n3A_55 : vector<16xi32> to vector<16x1xi32>
        %gather3A_71 = vector.shape_cast %broadcast_in_dim3A_70 : vector<16x1xi32> to vector<16xi32>
        %gather3A_72 = tpu.dynamic_gather %scan3A_34[%gather3A_71] in [0] : vector<16xf32>, vector<16xi32> -> vector<16xf32>
        %broadcast_in_dim3A_73 = vector.shape_cast %select_n3A_55 : vector<16xi32> to vector<16x1xi32>
        %gather3A_74 = vector.shape_cast %broadcast_in_dim3A_73 : vector<16x1xi32> to vector<16xi32>
        %gather3A_75 = tpu.dynamic_gather %scan3A_35[%gather3A_74] in [0] : vector<16xf32>, vector<16xi32> -> vector<16xf32>
        %broadcast_in_dim3A_76 = vector.shape_cast %select_n3A_55 : vector<16xi32> to vector<16x1xi32>
        %gather3A_77 = vector.shape_cast %broadcast_in_dim3A_76 : vector<16x1xi32> to vector<16xi32>
        %gather3A_78 = tpu.dynamic_gather %scan3A_36[%gather3A_77] in [0] : vector<16xf32>, vector<16xi32> -> vector<16xf32>
        %gt3A = arith.cmpf ogt, %gather3A_57, %scan3A_29 : vector<16xf32>
        %eq3A_79 = arith.cmpf oeq, %gather3A_57, %scan3A_29 : vector<16xf32>
        %lt3A_80 = arith.cmpf olt, %gather3A_60, %scan3A_30 : vector<16xf32>
        %and3A_81 = arith.andi %eq3A_79, %lt3A_80 : vector<16xi1>
        %or3A = arith.ori %gt3A, %and3A_81 : vector<16xi1>
        %select_n3A_82 = arith.select %or3A, %gather3A_57, %scan3A_29 : vector<16xi1>, vector<16xf32>
        %select_n3A_83 = arith.select %or3A, %gather3A_60, %scan3A_30 : vector<16xi1>, vector<16xf32>
        %select_n3A_84 = arith.select %or3A, %gather3A_63, %scan3A_31 : vector<16xi1>, vector<16xf32>
        %select_n3A_85 = arith.select %or3A, %gather3A_66, %scan3A_32 : vector<16xi1>, vector<16xf32>
        %select_n3A_86 = arith.select %or3A, %gather3A_69, %scan3A_33 : vector<16xi1>, vector<16xf32>
        %select_n3A_87 = arith.select %or3A, %gather3A_72, %scan3A_34 : vector<16xi1>, vector<16xf32>
        %select_n3A_88 = arith.select %or3A, %gather3A_75, %scan3A_35 : vector<16xi1>, vector<16xf32>
        %select_n3A_89 = arith.select %or3A, %gather3A_78, %scan3A_36 : vector<16xi1>, vector<16xf32>
        %add3A_90 = arith.constant 4 : i32
        %add3A_91 = vector.broadcast %add3A_90 : i32 to vector<16xi32>
        %add3A_92 = arith.addi %iota3A, %add3A_91 : vector<16xi32>
        %jit3A_93 = arith.constant 16 : i32
        %eq3A_94 = arith.constant 0 : i32
        %eq3A_95 = arith.cmpi eq, %jit3A_93, %eq3A_94 : i32
        %jit3A_96 = arith.constant 1 : i32
        %select_n3A_97 = arith.select %eq3A_95, %jit3A_96, %jit3A_93 : i32
        %rem3A_98 = vector.broadcast %select_n3A_97 : i32 to vector<16xi32>
        %rem3A_99 = arith.remsi %add3A_92, %rem3A_98 : vector<16xi32>
        %ne3A_100 = arith.constant 0 : i32
        %ne3A_101 = vector.broadcast %ne3A_100 : i32 to vector<16xi32>
        %ne3A_102 = arith.cmpi ne, %rem3A_99, %ne3A_101 : vector<16xi32>
        %lt3A_103 = arith.constant 0 : i32
        %lt3A_104 = vector.broadcast %lt3A_103 : i32 to vector<16xi32>
        %lt3A_105 = arith.cmpi slt, %rem3A_99, %lt3A_104 : vector<16xi32>
        %lt3A_106 = arith.constant 0 : i32
        %lt3A_107 = arith.cmpi slt, %select_n3A_97, %lt3A_106 : i32
        %ne3A_108 = vector.broadcast %lt3A_107 : i1 to vector<16xi1>
        %ne3A_109 = vector.broadcast %ne3A_108 : vector<16xi1> to vector<16xi1>
        %ne3A_110 = arith.xori %lt3A_105, %ne3A_109 : vector<16xi1>
        %and3A_111 = arith.andi %ne3A_110, %ne3A_102 : vector<16xi1>
        %add3A_112 = vector.broadcast %select_n3A_97 : i32 to vector<16xi32>
        %add3A_113 = arith.addi %rem3A_99, %add3A_112 : vector<16xi32>
        %select_n3A_114 = arith.select %and3A_111, %add3A_113, %rem3A_99 : vector<16xi1>, vector<16xi32>
        %broadcast_in_dim3A_115 = vector.shape_cast %select_n3A_114 : vector<16xi32> to vector<16x1xi32>
        %gather3A_116 = vector.shape_cast %broadcast_in_dim3A_115 : vector<16x1xi32> to vector<16xi32>
        %gather3A_117 = tpu.dynamic_gather %select_n3A_82[%gather3A_116] in [0] : vector<16xf32>, vector<16xi32> -> vector<16xf32>
        %broadcast_in_dim3A_118 = vector.shape_cast %select_n3A_114 : vector<16xi32> to vector<16x1xi32>
        %gather3A_119 = vector.shape_cast %broadcast_in_dim3A_118 : vector<16x1xi32> to vector<16xi32>
        %gather3A_120 = tpu.dynamic_gather %select_n3A_83[%gather3A_119] in [0] : vector<16xf32>, vector<16xi32> -> vector<16xf32>
        %broadcast_in_dim3A_121 = vector.shape_cast %select_n3A_114 : vector<16xi32> to vector<16x1xi32>
        %gather3A_122 = vector.shape_cast %broadcast_in_dim3A_121 : vector<16x1xi32> to vector<16xi32>
        %gather3A_123 = tpu.dynamic_gather %select_n3A_84[%gather3A_122] in [0] : vector<16xf32>, vector<16xi32> -> vector<16xf32>
        %broadcast_in_dim3A_124 = vector.shape_cast %select_n3A_114 : vector<16xi32> to vector<16x1xi32>
        %gather3A_125 = vector.shape_cast %broadcast_in_dim3A_124 : vector<16x1xi32> to vector<16xi32>
        %gather3A_126 = tpu.dynamic_gather %select_n3A_85[%gather3A_125] in [0] : vector<16xf32>, vector<16xi32> -> vector<16xf32>
        %broadcast_in_dim3A_127 = vector.shape_cast %select_n3A_114 : vector<16xi32> to vector<16x1xi32>
        %gather3A_128 = vector.shape_cast %broadcast_in_dim3A_127 : vector<16x1xi32> to vector<16xi32>
        %gather3A_129 = tpu.dynamic_gather %select_n3A_86[%gather3A_128] in [0] : vector<16xf32>, vector<16xi32> -> vector<16xf32>
        %broadcast_in_dim3A_130 = vector.shape_cast %select_n3A_114 : vector<16xi32> to vector<16x1xi32>
        %gather3A_131 = vector.shape_cast %broadcast_in_dim3A_130 : vector<16x1xi32> to vector<16xi32>
        %gather3A_132 = tpu.dynamic_gather %select_n3A_87[%gather3A_131] in [0] : vector<16xf32>, vector<16xi32> -> vector<16xf32>
        %broadcast_in_dim3A_133 = vector.shape_cast %select_n3A_114 : vector<16xi32> to vector<16x1xi32>
        %gather3A_134 = vector.shape_cast %broadcast_in_dim3A_133 : vector<16x1xi32> to vector<16xi32>
        %gather3A_135 = tpu.dynamic_gather %select_n3A_88[%gather3A_134] in [0] : vector<16xf32>, vector<16xi32> -> vector<16xf32>
        %broadcast_in_dim3A_136 = vector.shape_cast %select_n3A_114 : vector<16xi32> to vector<16x1xi32>
        %gather3A_137 = vector.shape_cast %broadcast_in_dim3A_136 : vector<16x1xi32> to vector<16xi32>
        %gather3A_138 = tpu.dynamic_gather %select_n3A_89[%gather3A_137] in [0] : vector<16xf32>, vector<16xi32> -> vector<16xf32>
        %gt3A_139 = arith.cmpf ogt, %gather3A_117, %select_n3A_82 : vector<16xf32>
        %eq3A_140 = arith.cmpf oeq, %gather3A_117, %select_n3A_82 : vector<16xf32>
        %lt3A_141 = arith.cmpf olt, %gather3A_120, %select_n3A_83 : vector<16xf32>
        %and3A_142 = arith.andi %eq3A_140, %lt3A_141 : vector<16xi1>
        %or3A_143 = arith.ori %gt3A_139, %and3A_142 : vector<16xi1>
        %select_n3A_144 = arith.select %or3A_143, %gather3A_117, %select_n3A_82 : vector<16xi1>, vector<16xf32>
        %select_n3A_145 = arith.select %or3A_143, %gather3A_120, %select_n3A_83 : vector<16xi1>, vector<16xf32>
        %select_n3A_146 = arith.select %or3A_143, %gather3A_123, %select_n3A_84 : vector<16xi1>, vector<16xf32>
        %select_n3A_147 = arith.select %or3A_143, %gather3A_126, %select_n3A_85 : vector<16xi1>, vector<16xf32>
        %select_n3A_148 = arith.select %or3A_143, %gather3A_129, %select_n3A_86 : vector<16xi1>, vector<16xf32>
        %select_n3A_149 = arith.select %or3A_143, %gather3A_132, %select_n3A_87 : vector<16xi1>, vector<16xf32>
        %select_n3A_150 = arith.select %or3A_143, %gather3A_135, %select_n3A_88 : vector<16xi1>, vector<16xf32>
        %select_n3A_151 = arith.select %or3A_143, %gather3A_138, %select_n3A_89 : vector<16xi1>, vector<16xf32>
        %add3A_152 = arith.constant 2 : i32
        %add3A_153 = vector.broadcast %add3A_152 : i32 to vector<16xi32>
        %add3A_154 = arith.addi %iota3A, %add3A_153 : vector<16xi32>
        %jit3A_155 = arith.constant 16 : i32
        %eq3A_156 = arith.constant 0 : i32
        %eq3A_157 = arith.cmpi eq, %jit3A_155, %eq3A_156 : i32
        %jit3A_158 = arith.constant 1 : i32
        %select_n3A_159 = arith.select %eq3A_157, %jit3A_158, %jit3A_155 : i32
        %rem3A_160 = vector.broadcast %select_n3A_159 : i32 to vector<16xi32>
        %rem3A_161 = arith.remsi %add3A_154, %rem3A_160 : vector<16xi32>
        %ne3A_162 = arith.constant 0 : i32
        %ne3A_163 = vector.broadcast %ne3A_162 : i32 to vector<16xi32>
        %ne3A_164 = arith.cmpi ne, %rem3A_161, %ne3A_163 : vector<16xi32>
        %lt3A_165 = arith.constant 0 : i32
        %lt3A_166 = vector.broadcast %lt3A_165 : i32 to vector<16xi32>
        %lt3A_167 = arith.cmpi slt, %rem3A_161, %lt3A_166 : vector<16xi32>
        %lt3A_168 = arith.constant 0 : i32
        %lt3A_169 = arith.cmpi slt, %select_n3A_159, %lt3A_168 : i32
        %ne3A_170 = vector.broadcast %lt3A_169 : i1 to vector<16xi1>
        %ne3A_171 = vector.broadcast %ne3A_170 : vector<16xi1> to vector<16xi1>
        %ne3A_172 = arith.xori %lt3A_167, %ne3A_171 : vector<16xi1>
        %and3A_173 = arith.andi %ne3A_172, %ne3A_164 : vector<16xi1>
        %add3A_174 = vector.broadcast %select_n3A_159 : i32 to vector<16xi32>
        %add3A_175 = arith.addi %rem3A_161, %add3A_174 : vector<16xi32>
        %select_n3A_176 = arith.select %and3A_173, %add3A_175, %rem3A_161 : vector<16xi1>, vector<16xi32>
        %broadcast_in_dim3A_177 = vector.shape_cast %select_n3A_176 : vector<16xi32> to vector<16x1xi32>
        %gather3A_178 = vector.shape_cast %broadcast_in_dim3A_177 : vector<16x1xi32> to vector<16xi32>
        %gather3A_179 = tpu.dynamic_gather %select_n3A_144[%gather3A_178] in [0] : vector<16xf32>, vector<16xi32> -> vector<16xf32>
        %broadcast_in_dim3A_180 = vector.shape_cast %select_n3A_176 : vector<16xi32> to vector<16x1xi32>
        %gather3A_181 = vector.shape_cast %broadcast_in_dim3A_180 : vector<16x1xi32> to vector<16xi32>
        %gather3A_182 = tpu.dynamic_gather %select_n3A_145[%gather3A_181] in [0] : vector<16xf32>, vector<16xi32> -> vector<16xf32>
        %broadcast_in_dim3A_183 = vector.shape_cast %select_n3A_176 : vector<16xi32> to vector<16x1xi32>
        %gather3A_184 = vector.shape_cast %broadcast_in_dim3A_183 : vector<16x1xi32> to vector<16xi32>
        %gather3A_185 = tpu.dynamic_gather %select_n3A_146[%gather3A_184] in [0] : vector<16xf32>, vector<16xi32> -> vector<16xf32>
        %broadcast_in_dim3A_186 = vector.shape_cast %select_n3A_176 : vector<16xi32> to vector<16x1xi32>
        %gather3A_187 = vector.shape_cast %broadcast_in_dim3A_186 : vector<16x1xi32> to vector<16xi32>
        %gather3A_188 = tpu.dynamic_gather %select_n3A_147[%gather3A_187] in [0] : vector<16xf32>, vector<16xi32> -> vector<16xf32>
        %broadcast_in_dim3A_189 = vector.shape_cast %select_n3A_176 : vector<16xi32> to vector<16x1xi32>
        %gather3A_190 = vector.shape_cast %broadcast_in_dim3A_189 : vector<16x1xi32> to vector<16xi32>
        %gather3A_191 = tpu.dynamic_gather %select_n3A_148[%gather3A_190] in [0] : vector<16xf32>, vector<16xi32> -> vector<16xf32>
        %broadcast_in_dim3A_192 = vector.shape_cast %select_n3A_176 : vector<16xi32> to vector<16x1xi32>
        %gather3A_193 = vector.shape_cast %broadcast_in_dim3A_192 : vector<16x1xi32> to vector<16xi32>
        %gather3A_194 = tpu.dynamic_gather %select_n3A_149[%gather3A_193] in [0] : vector<16xf32>, vector<16xi32> -> vector<16xf32>
        %broadcast_in_dim3A_195 = vector.shape_cast %select_n3A_176 : vector<16xi32> to vector<16x1xi32>
        %gather3A_196 = vector.shape_cast %broadcast_in_dim3A_195 : vector<16x1xi32> to vector<16xi32>
        %gather3A_197 = tpu.dynamic_gather %select_n3A_150[%gather3A_196] in [0] : vector<16xf32>, vector<16xi32> -> vector<16xf32>
        %broadcast_in_dim3A_198 = vector.shape_cast %select_n3A_176 : vector<16xi32> to vector<16x1xi32>
        %gather3A_199 = vector.shape_cast %broadcast_in_dim3A_198 : vector<16x1xi32> to vector<16xi32>
        %gather3A_200 = tpu.dynamic_gather %select_n3A_151[%gather3A_199] in [0] : vector<16xf32>, vector<16xi32> -> vector<16xf32>
        %gt3A_201 = arith.cmpf ogt, %gather3A_179, %select_n3A_144 : vector<16xf32>
        %eq3A_202 = arith.cmpf oeq, %gather3A_179, %select_n3A_144 : vector<16xf32>
        %lt3A_203 = arith.cmpf olt, %gather3A_182, %select_n3A_145 : vector<16xf32>
        %and3A_204 = arith.andi %eq3A_202, %lt3A_203 : vector<16xi1>
        %or3A_205 = arith.ori %gt3A_201, %and3A_204 : vector<16xi1>
        %select_n3A_206 = arith.select %or3A_205, %gather3A_179, %select_n3A_144 : vector<16xi1>, vector<16xf32>
        %select_n3A_207 = arith.select %or3A_205, %gather3A_182, %select_n3A_145 : vector<16xi1>, vector<16xf32>
        %select_n3A_208 = arith.select %or3A_205, %gather3A_185, %select_n3A_146 : vector<16xi1>, vector<16xf32>
        %select_n3A_209 = arith.select %or3A_205, %gather3A_188, %select_n3A_147 : vector<16xi1>, vector<16xf32>
        %select_n3A_210 = arith.select %or3A_205, %gather3A_191, %select_n3A_148 : vector<16xi1>, vector<16xf32>
        %select_n3A_211 = arith.select %or3A_205, %gather3A_194, %select_n3A_149 : vector<16xi1>, vector<16xf32>
        %select_n3A_212 = arith.select %or3A_205, %gather3A_197, %select_n3A_150 : vector<16xi1>, vector<16xf32>
        %select_n3A_213 = arith.select %or3A_205, %gather3A_200, %select_n3A_151 : vector<16xi1>, vector<16xf32>
        %add3A_214 = arith.constant 1 : i32
        %add3A_215 = vector.broadcast %add3A_214 : i32 to vector<16xi32>
        %add3A_216 = arith.addi %iota3A, %add3A_215 : vector<16xi32>
        %jit3A_217 = arith.constant 16 : i32
        %eq3A_218 = arith.constant 0 : i32
        %eq3A_219 = arith.cmpi eq, %jit3A_217, %eq3A_218 : i32
        %jit3A_220 = arith.constant 1 : i32
        %select_n3A_221 = arith.select %eq3A_219, %jit3A_220, %jit3A_217 : i32
        %rem3A_222 = vector.broadcast %select_n3A_221 : i32 to vector<16xi32>
        %rem3A_223 = arith.remsi %add3A_216, %rem3A_222 : vector<16xi32>
        %ne3A_224 = arith.constant 0 : i32
        %ne3A_225 = vector.broadcast %ne3A_224 : i32 to vector<16xi32>
        %ne3A_226 = arith.cmpi ne, %rem3A_223, %ne3A_225 : vector<16xi32>
        %lt3A_227 = arith.constant 0 : i32
        %lt3A_228 = vector.broadcast %lt3A_227 : i32 to vector<16xi32>
        %lt3A_229 = arith.cmpi slt, %rem3A_223, %lt3A_228 : vector<16xi32>
        %lt3A_230 = arith.constant 0 : i32
        %lt3A_231 = arith.cmpi slt, %select_n3A_221, %lt3A_230 : i32
        %ne3A_232 = vector.broadcast %lt3A_231 : i1 to vector<16xi1>
        %ne3A_233 = vector.broadcast %ne3A_232 : vector<16xi1> to vector<16xi1>
        %ne3A_234 = arith.xori %lt3A_229, %ne3A_233 : vector<16xi1>
        %and3A_235 = arith.andi %ne3A_234, %ne3A_226 : vector<16xi1>
        %add3A_236 = vector.broadcast %select_n3A_221 : i32 to vector<16xi32>
        %add3A_237 = arith.addi %rem3A_223, %add3A_236 : vector<16xi32>
        %select_n3A_238 = arith.select %and3A_235, %add3A_237, %rem3A_223 : vector<16xi1>, vector<16xi32>
        %broadcast_in_dim3A_239 = vector.shape_cast %select_n3A_238 : vector<16xi32> to vector<16x1xi32>
        %gather3A_240 = vector.shape_cast %broadcast_in_dim3A_239 : vector<16x1xi32> to vector<16xi32>
        %gather3A_241 = tpu.dynamic_gather %select_n3A_206[%gather3A_240] in [0] : vector<16xf32>, vector<16xi32> -> vector<16xf32>
        %broadcast_in_dim3A_242 = vector.shape_cast %select_n3A_238 : vector<16xi32> to vector<16x1xi32>
        %gather3A_243 = vector.shape_cast %broadcast_in_dim3A_242 : vector<16x1xi32> to vector<16xi32>
        %gather3A_244 = tpu.dynamic_gather %select_n3A_207[%gather3A_243] in [0] : vector<16xf32>, vector<16xi32> -> vector<16xf32>
        %broadcast_in_dim3A_245 = vector.shape_cast %select_n3A_238 : vector<16xi32> to vector<16x1xi32>
        %gather3A_246 = vector.shape_cast %broadcast_in_dim3A_245 : vector<16x1xi32> to vector<16xi32>
        %gather3A_247 = tpu.dynamic_gather %select_n3A_208[%gather3A_246] in [0] : vector<16xf32>, vector<16xi32> -> vector<16xf32>
        %broadcast_in_dim3A_248 = vector.shape_cast %select_n3A_238 : vector<16xi32> to vector<16x1xi32>
        %gather3A_249 = vector.shape_cast %broadcast_in_dim3A_248 : vector<16x1xi32> to vector<16xi32>
        %gather3A_250 = tpu.dynamic_gather %select_n3A_209[%gather3A_249] in [0] : vector<16xf32>, vector<16xi32> -> vector<16xf32>
        %broadcast_in_dim3A_251 = vector.shape_cast %select_n3A_238 : vector<16xi32> to vector<16x1xi32>
        %gather3A_252 = vector.shape_cast %broadcast_in_dim3A_251 : vector<16x1xi32> to vector<16xi32>
        %gather3A_253 = tpu.dynamic_gather %select_n3A_210[%gather3A_252] in [0] : vector<16xf32>, vector<16xi32> -> vector<16xf32>
        %broadcast_in_dim3A_254 = vector.shape_cast %select_n3A_238 : vector<16xi32> to vector<16x1xi32>
        %gather3A_255 = vector.shape_cast %broadcast_in_dim3A_254 : vector<16x1xi32> to vector<16xi32>
        %gather3A_256 = tpu.dynamic_gather %select_n3A_211[%gather3A_255] in [0] : vector<16xf32>, vector<16xi32> -> vector<16xf32>
        %broadcast_in_dim3A_257 = vector.shape_cast %select_n3A_238 : vector<16xi32> to vector<16x1xi32>
        %gather3A_258 = vector.shape_cast %broadcast_in_dim3A_257 : vector<16x1xi32> to vector<16xi32>
        %gather3A_259 = tpu.dynamic_gather %select_n3A_212[%gather3A_258] in [0] : vector<16xf32>, vector<16xi32> -> vector<16xf32>
        %broadcast_in_dim3A_260 = vector.shape_cast %select_n3A_238 : vector<16xi32> to vector<16x1xi32>
        %gather3A_261 = vector.shape_cast %broadcast_in_dim3A_260 : vector<16x1xi32> to vector<16xi32>
        %gather3A_262 = tpu.dynamic_gather %select_n3A_213[%gather3A_261] in [0] : vector<16xf32>, vector<16xi32> -> vector<16xf32>
        %gt3A_263 = arith.cmpf ogt, %gather3A_241, %select_n3A_206 : vector<16xf32>
        %eq3A_264 = arith.cmpf oeq, %gather3A_241, %select_n3A_206 : vector<16xf32>
        %lt3A_265 = arith.cmpf olt, %gather3A_244, %select_n3A_207 : vector<16xf32>
        %and3A_266 = arith.andi %eq3A_264, %lt3A_265 : vector<16xi1>
        %or3A_267 = arith.ori %gt3A_263, %and3A_266 : vector<16xi1>
        %select_n3A_268 = arith.select %or3A_267, %gather3A_241, %select_n3A_206 : vector<16xi1>, vector<16xf32>
        %select_n3A_269 = arith.select %or3A_267, %gather3A_244, %select_n3A_207 : vector<16xi1>, vector<16xf32>
        %select_n3A_270 = arith.select %or3A_267, %gather3A_247, %select_n3A_208 : vector<16xi1>, vector<16xf32>
        %select_n3A_271 = arith.select %or3A_267, %gather3A_250, %select_n3A_209 : vector<16xi1>, vector<16xf32>
        %select_n3A_272 = arith.select %or3A_267, %gather3A_253, %select_n3A_210 : vector<16xi1>, vector<16xf32>
        %select_n3A_273 = arith.select %or3A_267, %gather3A_256, %select_n3A_211 : vector<16xi1>, vector<16xf32>
        %select_n3A_274 = arith.select %or3A_267, %gather3A_259, %select_n3A_212 : vector<16xi1>, vector<16xf32>
        %select_n3A_275 = arith.select %or3A_267, %gather3A_262, %select_n3A_213 : vector<16xi1>, vector<16xf32>
        %gt3A_276 = arith.constant -5.000000e+29 : f32
        %gt3A_277 = vector.broadcast %gt3A_276 : f32 to vector<16xf32>
        %gt3A_278 = arith.cmpf ogt, %select_n3A_268, %gt3A_277 : vector<16xf32>
        %jit3A_279 = arith.constant 1.000000e+00 : f32
        %jit3A_280 = arith.constant 0.000000e+00 : f32
        %broadcast_in_dim3A_281 = vector.broadcast %jit3A_279 : f32 to vector<16xf32>
        %broadcast_in_dim3A_282 = vector.broadcast %jit3A_280 : f32 to vector<16xf32>
        %select_n3A_283 = arith.select %gt3A_278, %broadcast_in_dim3A_281, %broadcast_in_dim3A_282 : vector<16xi1>, vector<16xf32>
        %eq3A_284 = arith.constant 0 : i32
        %eq3A_285 = vector.broadcast %eq3A_284 : i32 to vector<16xi32>
        %eq3A_286 = arith.cmpi eq, %iota3A, %eq3A_285 : vector<16xi32>
        %eq3A_287 = arith.constant 1 : i32
        %eq3A_288 = vector.broadcast %eq3A_287 : i32 to vector<16xi32>
        %eq3A_289 = arith.cmpi eq, %iota3A, %eq3A_288 : vector<16xi32>
        %eq3A_290 = arith.constant 2 : i32
        %eq3A_291 = vector.broadcast %eq3A_290 : i32 to vector<16xi32>
        %eq3A_292 = arith.cmpi eq, %iota3A, %eq3A_291 : vector<16xi32>
        %eq3A_293 = arith.constant 3 : i32
        %eq3A_294 = vector.broadcast %eq3A_293 : i32 to vector<16xi32>
        %eq3A_295 = arith.cmpi eq, %iota3A, %eq3A_294 : vector<16xi32>
        %eq3A_296 = arith.constant 4 : i32
        %eq3A_297 = vector.broadcast %eq3A_296 : i32 to vector<16xi32>
        %eq3A_298 = arith.cmpi eq, %iota3A, %eq3A_297 : vector<16xi32>
        %eq3A_299 = arith.constant 5 : i32
        %eq3A_300 = vector.broadcast %eq3A_299 : i32 to vector<16xi32>
        %eq3A_301 = arith.cmpi eq, %iota3A, %eq3A_300 : vector<16xi32>
        %eq3A_302 = arith.constant 6 : i32
        %eq3A_303 = vector.broadcast %eq3A_302 : i32 to vector<16xi32>
        %eq3A_304 = arith.cmpi eq, %iota3A, %eq3A_303 : vector<16xi32>
        %select_n3A_305 = arith.select %eq3A_304, %select_n3A_274, %select_n3A_275 : vector<16xi1>, vector<16xf32>
        %select_n3A_306 = arith.select %eq3A_301, %select_n3A_268, %select_n3A_305 : vector<16xi1>, vector<16xf32>
        %jit3A_307 = arith.constant 1.000000e+00 : f32
        %broadcast_in_dim3A_308 = vector.broadcast %jit3A_307 : f32 to vector<16xf32>
        %select_n3A_309 = arith.select %eq3A_298, %broadcast_in_dim3A_308, %select_n3A_306 : vector<16xi1>, vector<16xf32>
        %select_n3A_310 = arith.select %eq3A_295, %select_n3A_273, %select_n3A_309 : vector<16xi1>, vector<16xf32>
        %select_n3A_311 = arith.select %eq3A_292, %select_n3A_272, %select_n3A_310 : vector<16xi1>, vector<16xf32>
        %select_n3A_312 = arith.select %eq3A_289, %select_n3A_271, %select_n3A_311 : vector<16xi1>, vector<16xf32>
        %select_n3A_313 = arith.select %eq3A_286, %select_n3A_270, %select_n3A_312 : vector<16xi1>, vector<16xf32>
        %mul3A = arith.mulf %select_n3A_313, %select_n3A_283 : vector<16xf32>
        %swap3A = arith.index_cast %scan3A_28 : i32 to index
        %swap3A_314 = arith.constant 0 : index
        %swap3A_315 = tpu.vector_load %arg13[%swap3A, %swap3A_314] {strides = array<i32>} : memref<100x16xf32, #tpu.memory_space<vmem>>, vector<1x16xf32>,
        %swap3A_316 = vector.shape_cast %swap3A_315 : vector<1x16xf32> to vector<16xf32>
        %swap3A_317 = vector.shape_cast %mul3A : vector<16xf32> to vector<1x16xf32>
        tpu.vector_store %arg13[%swap3A, %swap3A_314], %swap3A_317 {strides = array<i32>} : memref<100x16xf32, #tpu.memory_space<vmem>>, vector<1x16xf32>,
        %sub3A = arith.subf %select_n3A_272, %select_n3A_270 : vector<16xf32>
        %max3A = arith.constant 0.000000e+00 : f32
        %max3A_318 = vector.broadcast %max3A : f32 to vector<16xf32>
        %max3A_319 = arith.maximumf %sub3A, %max3A_318 : vector<16xf32>
        %sub3A_320 = arith.subf %select_n3A_273, %select_n3A_271 : vector<16xf32>
        %max3A_321 = arith.constant 0.000000e+00 : f32
        %max3A_322 = vector.broadcast %max3A_321 : f32 to vector<16xf32>
        %max3A_323 = arith.maximumf %sub3A_320, %max3A_322 : vector<16xf32>
        %mul3A_324 = arith.mulf %max3A_319, %max3A_323 : vector<16xf32>
        %scan3A_325 = arith.constant 0 : i32
        %scan3A_326 = arith.constant 320 : i32
        %scan3A_327 = arith.addi %scan3A_325, %scan3A_326 : i32
        %scan3A_328 = arith.constant 1 : i32
        %scan3A_329:8 = scf.for %scan3A_331 = %scan3A_325 to %scan3A_327 step %scan3A_328 iter_args(%scan3A_332 = %broadcast_in_dim3A_13, %scan3A_333 = %broadcast_in_dim3A_15, %scan3A_334 = %broadcast_in_dim3A_5, %scan3A_335 = %broadcast_in_dim3A_5, %scan3A_336 = %broadcast_in_dim3A_5, %scan3A_337 = %broadcast_in_dim3A_5, %scan3A_338 = %broadcast_in_dim3A_5, %scan3A_339 = %broadcast_in_dim3A_5) -> (vector<16xf32>, vector<16xf32>, vector<16xf32>, vector<16xf32>, vector<16xf32>, vector<16xf32>, vector<16xf32>, vector<16xf32>)  : i32 {
          %jit3A_340 = arith.constant 8 : i32
          %div3A = arith.divsi %scan3A_331, %jit3A_340 : i32
          %sign3A = arith.constant 0 : i32
          %sign3A_341 = arith.cmpi sgt, %scan3A_331, %sign3A : i32
          %sign3A_342 = arith.extui %sign3A_341 : i1 to i32
          %sign3A_343 = arith.constant 0 : i32
          %sign3A_344 = arith.cmpi slt, %scan3A_331, %sign3A_343 : i32
          %sign3A_345 = arith.extui %sign3A_344 : i1 to i32
          %sign3A_346 = arith.subi %sign3A_342, %sign3A_345 : i32
          %sign3A_347 = arith.constant 0 : i32
          %sign3A_348 = arith.cmpi sgt, %jit3A_340, %sign3A_347 : i32
          %sign3A_349 = arith.extui %sign3A_348 : i1 to i32
          %sign3A_350 = arith.constant 0 : i32
          %sign3A_351 = arith.cmpi slt, %jit3A_340, %sign3A_350 : i32
          %sign3A_352 = arith.extui %sign3A_351 : i1 to i32
          %sign3A_353 = arith.subi %sign3A_349, %sign3A_352 : i32
          %ne3A_354 = arith.cmpi ne, %sign3A_346, %sign3A_353 : i32
          %rem3A_355 = arith.remsi %scan3A_331, %jit3A_340 : i32
          %ne3A_356 = arith.constant 0 : i32
          %ne3A_357 = arith.cmpi ne, %rem3A_355, %ne3A_356 : i32
          %and3A_358 = arith.andi %ne3A_354, %ne3A_357 : i1
          %sub3A_359 = arith.constant 1 : i32
          %sub3A_360 = arith.subi %div3A, %sub3A_359 : i32
          %select_n3A_361 = arith.select %and3A_358, %sub3A_360, %div3A : i32
          %jit3A_362 = arith.constant 8 : i32
          %eq3A_363 = arith.constant 0 : i32
          %eq3A_364 = arith.cmpi eq, %jit3A_362, %eq3A_363 : i32
          %jit3A_365 = arith.constant 1 : i32
          %select_n3A_366 = arith.select %eq3A_364, %jit3A_365, %jit3A_362 : i32
          %rem3A_367 = arith.remsi %scan3A_331, %select_n3A_366 : i32
          %ne3A_368 = arith.constant 0 : i32
          %ne3A_369 = arith.cmpi ne, %rem3A_367, %ne3A_368 : i32
          %lt3A_370 = arith.constant 0 : i32
          %lt3A_371 = arith.cmpi slt, %rem3A_367, %lt3A_370 : i32
          %lt3A_372 = arith.constant 0 : i32
          %lt3A_373 = arith.cmpi slt, %select_n3A_366, %lt3A_372 : i32
          %ne3A_374 = arith.xori %lt3A_371, %lt3A_373 : i1
          %and3A_375 = arith.andi %ne3A_374, %ne3A_369 : i1
          %add3A_376 = arith.addi %rem3A_367, %select_n3A_366 : i32
          %select_n3A_377 = arith.select %and3A_375, %add3A_376, %rem3A_367 : i32
          %mul3A_378 = arith.constant 16 : i32
          %mul3A_379 = arith.muli %select_n3A_377, %mul3A_378 : i32
          %get3A = arith.index_cast %select_n3A_361 : i32 to index
          %get3A_380 = arith.index_cast %mul3A_379 : i32 to index
          %get3A_381 = tpu.vector_load %arg5[%get3A, %get3A_380] {strides = array<i32>} : memref<40x128xf32, #tpu.memory_space<vmem>>, vector<1x16xf32>,
          %get3A_382 = vector.shape_cast %get3A_381 : vector<1x16xf32> to vector<16xf32>
          %get3A_383 = arith.index_cast %select_n3A_361 : i32 to index
          %get3A_384 = arith.index_cast %mul3A_379 : i32 to index
          %get3A_385 = tpu.vector_load %arg6[%get3A_383, %get3A_384] {strides = array<i32>} : memref<40x128xf32, #tpu.memory_space<vmem>>, vector<1x16xf32>,
          %get3A_386 = vector.shape_cast %get3A_385 : vector<1x16xf32> to vector<16xf32>
          %get3A_387 = arith.index_cast %select_n3A_361 : i32 to index
          %get3A_388 = arith.index_cast %mul3A_379 : i32 to index
          %get3A_389 = tpu.vector_load %arg7[%get3A_387, %get3A_388] {strides = array<i32>} : memref<40x128xf32, #tpu.memory_space<vmem>>, vector<1x16xf32>,
          %get3A_390 = vector.shape_cast %get3A_389 : vector<1x16xf32> to vector<16xf32>
          %get3A_391 = arith.index_cast %select_n3A_361 : i32 to index
          %get3A_392 = arith.index_cast %mul3A_379 : i32 to index
          %get3A_393 = tpu.vector_load %arg8[%get3A_391, %get3A_392] {strides = array<i32>} : memref<40x128xf32, #tpu.memory_space<vmem>>, vector<1x16xf32>,
          %get3A_394 = vector.shape_cast %get3A_393 : vector<1x16xf32> to vector<16xf32>
          %max3A_395 = arith.maximumf %get3A_382, %select_n3A_270 : vector<16xf32>
          %max3A_396 = arith.maximumf %get3A_386, %select_n3A_271 : vector<16xf32>
          %min3A = arith.minimumf %get3A_390, %select_n3A_272 : vector<16xf32>
          %min3A_397 = arith.minimumf %get3A_394, %select_n3A_273 : vector<16xf32>
          %sub3A_398 = arith.subf %min3A, %max3A_395 : vector<16xf32>
          %max3A_399 = arith.constant 0.000000e+00 : f32
          %max3A_400 = vector.broadcast %max3A_399 : f32 to vector<16xf32>
          %max3A_401 = arith.maximumf %sub3A_398, %max3A_400 : vector<16xf32>
          %sub3A_402 = arith.subf %min3A_397, %max3A_396 : vector<16xf32>
          %max3A_403 = arith.constant 0.000000e+00 : f32
          %max3A_404 = vector.broadcast %max3A_403 : f32 to vector<16xf32>
          %max3A_405 = arith.maximumf %sub3A_402, %max3A_404 : vector<16xf32>
          %mul3A_406 = arith.mulf %max3A_401, %max3A_405 : vector<16xf32>
          %get3A_407 = arith.index_cast %select_n3A_361 : i32 to index
          %get3A_408 = arith.index_cast %mul3A_379 : i32 to index
          %get3A_409 = tpu.vector_load %arg9[%get3A_407, %get3A_408] {strides = array<i32>} : memref<40x128xf32, #tpu.memory_space<vmem>>, vector<1x16xf32>,
          %get3A_410 = vector.shape_cast %get3A_409 : vector<1x16xf32> to vector<16xf32>
          %add3A_411 = arith.addf %get3A_410, %mul3A_324 : vector<16xf32>
          %sub3A_412 = arith.subf %add3A_411, %mul3A_406 : vector<16xf32>
          %max3A_413 = arith.constant 9.99999993E-9 : f32
          %max3A_414 = vector.broadcast %max3A_413 : f32 to vector<16xf32>
          %max3A_415 = arith.maximumf %sub3A_412, %max3A_414 : vector<16xf32>
          %div3A_416 = arith.divf %mul3A_406, %max3A_415 : vector<16xf32>
          %ge3A = arith.constant 5.000000e-01 : f32
          %ge3A_417 = vector.broadcast %ge3A : f32 to vector<16xf32>
          %ge3A_418 = arith.cmpf oge, %div3A_416, %ge3A_417 : vector<16xf32>
          %get3A_419 = arith.index_cast %select_n3A_361 : i32 to index
          %get3A_420 = arith.index_cast %mul3A_379 : i32 to index
          %get3A_421 = tpu.vector_load %arg10[%get3A_419, %get3A_420] {strides = array<i32>} : memref<40x128xf32, #tpu.memory_space<vmem>>, vector<1x16xf32>,
          %get3A_422 = vector.shape_cast %get3A_421 : vector<1x16xf32> to vector<16xf32>
          %jit3A_423 = arith.constant -1.000000e+30 : f32
          %broadcast_in_dim3A_424 = vector.broadcast %jit3A_423 : f32 to vector<16xf32>
          %select_n3A_425 = arith.select %ge3A_418, %broadcast_in_dim3A_424, %get3A_422 : vector<16xi1>, vector<16xf32>
          %swap3A_426 = arith.index_cast %select_n3A_361 : i32 to index
          %swap3A_427 = arith.index_cast %mul3A_379 : i32 to index
          %swap3A_428 = tpu.vector_load %arg10[%swap3A_426, %swap3A_427] {strides = array<i32>} : memref<40x128xf32, #tpu.memory_space<vmem>>, vector<1x16xf32>,
          %swap3A_429 = vector.shape_cast %swap3A_428 : vector<1x16xf32> to vector<16xf32>
          %swap3A_430 = vector.shape_cast %select_n3A_425 : vector<16xf32> to vector<1x16xf32>
          tpu.vector_store %arg10[%swap3A_426, %swap3A_427], %swap3A_430 {strides = array<i32>} : memref<40x128xf32, #tpu.memory_space<vmem>>, vector<1x16xf32>,
          %convert_element_type3A_431 = arith.sitofp %scan3A_331 : i32 to f32
          %mul3A_432 = arith.constant 1.600000e+01 : f32
          %mul3A_433 = arith.mulf %convert_element_type3A_431, %mul3A_432 : f32
          %add3A_434 = vector.broadcast %mul3A_433 : f32 to vector<16xf32>
          %add3A_435 = arith.addf %add3A_434, %convert_element_type3A_4 : vector<16xf32>
          %get3A_436 = arith.index_cast %select_n3A_361 : i32 to index
          %get3A_437 = arith.index_cast %mul3A_379 : i32 to index
          %get3A_438 = tpu.vector_load %arg11[%get3A_436, %get3A_437] {strides = array<i32>} : memref<40x128xf32, #tpu.memory_space<vmem>>, vector<1x16xf32>,
          %get3A_439 = vector.shape_cast %get3A_438 : vector<1x16xf32> to vector<16xf32>
          %get3A_440 = arith.index_cast %select_n3A_361 : i32 to index
          %get3A_441 = arith.index_cast %mul3A_379 : i32 to index
          %get3A_442 = tpu.vector_load %arg12[%get3A_440, %get3A_441] {strides = array<i32>} : memref<40x128xf32, #tpu.memory_space<vmem>>, vector<1x16xf32>,
          %get3A_443 = vector.shape_cast %get3A_442 : vector<1x16xf32> to vector<16xf32>
          %gt3A_444 = arith.cmpf ogt, %select_n3A_425, %scan3A_332 : vector<16xf32>
          %eq3A_445 = arith.cmpf oeq, %select_n3A_425, %scan3A_332 : vector<16xf32>
          %lt3A_446 = arith.cmpf olt, %add3A_435, %scan3A_333 : vector<16xf32>
          %and3A_447 = arith.andi %eq3A_445, %lt3A_446 : vector<16xi1>
          %or3A_448 = arith.ori %gt3A_444, %and3A_447 : vector<16xi1>
          %select_n3A_449 = arith.select %or3A_448, %select_n3A_425, %scan3A_332 : vector<16xi1>, vector<16xf32>
          %select_n3A_450 = arith.select %or3A_448, %add3A_435, %scan3A_333 : vector<16xi1>, vector<16xf32>
          %select_n3A_451 = arith.select %or3A_448, %get3A_382, %scan3A_334 : vector<16xi1>, vector<16xf32>
          %select_n3A_452 = arith.select %or3A_448, %get3A_386, %scan3A_335 : vector<16xi1>, vector<16xf32>
          %select_n3A_453 = arith.select %or3A_448, %get3A_390, %scan3A_336 : vector<16xi1>, vector<16xf32>
          %select_n3A_454 = arith.select %or3A_448, %get3A_394, %scan3A_337 : vector<16xi1>, vector<16xf32>
          %select_n3A_455 = arith.select %or3A_448, %get3A_439, %scan3A_338 : vector<16xi1>, vector<16xf32>
          %select_n3A_456 = arith.select %or3A_448, %get3A_443, %scan3A_339 : vector<16xi1>, vector<16xf32>
          scf.yield %select_n3A_449, %select_n3A_450, %select_n3A_451, %select_n3A_452, %select_n3A_453, %select_n3A_454, %select_n3A_455, %select_n3A_456 : vector<16xf32>, vector<16xf32>, vector<16xf32>, vector<16xf32>, vector<16xf32>, vector<16xf32>, vector<16xf32>, vector<16xf32>
        }
        %scan3A_330 = arith.constant 320 : i32
        scf.yield %scan3A_329#0, %scan3A_329#1, %scan3A_329#2, %scan3A_329#3, %scan3A_329#4, %scan3A_329#5, %scan3A_329#6, %scan3A_329#7 : vector<16xf32>, vector<16xf32>, vector<16xf32>, vector<16xf32>, vector<16xf32>, vector<16xf32>, vector<16xf32>, vector<16xf32>
      }
      %scan3A_27 = arith.constant 100 : i32
      "tpu.region"() ({
        %run_scoped3A = tpu.sem_alloc : memref<!tpu.dma_semaphore, #tpu.memory_space<semaphore_mem>>
        tpu.enqueue_dma source(%arg13 : memref<100x16xf32, #tpu.memory_space<vmem>>) target(%arg3 : memref<100x16xf32, #tpu.memory_space<hbm>>) target_semaphore(%run_scoped3A : memref<!tpu.dma_semaphore, #tpu.memory_space<semaphore_mem>>)
        tpu.wait_dma2 semaphore(%run_scoped3A : memref<!tpu.dma_semaphore, #tpu.memory_space<semaphore_mem>>) src(%arg13 : memref<100x16xf32, #tpu.memory_space<vmem>>) dst(%arg3 : memref<100x16xf32, #tpu.memory_space<hbm>>)
        tpu.yield
      }) : () -> ()
    } else {
    }
    return
  }
}

</mosaic_0001>

<sc_bundles>
// kernel: kernel.3.cloned.1.call-start
scs
__scs_entry_jumppad:
0x0: {  	(pc) =	sbr.rel $0x88, $3  }
0x1: {  	(tag) =	ssettag $0x0;
	lr =	simm.s32 $0x1  }
0x2: {  	[smem:$0x3F9C] =	sst lr;
	_ =	strace $0xD0000000  }
0x3: {  	_ = 	snop  }
0x4: {  	_ = 	snop  }
0x5: {  	_ = 	snop  }
0x6: {  	_ = 	snop  }
0x7: {  	_ = 	snop  }
__scs_overlays_trampoline_lowered:
0x8: {  	[smem:$0x3FAB] =	sst s0  }
0x9: {  	[smem:$0x3FAC] =	sst s1  }
0xa: {  	[smem:$0x3FAD] =	sst s2  }
0xb: {  	[smem:$0x3FAE] =	sst s3  }
0xc: {  	[smem:$0x3FAF] =	sst s4  }
0xd: {  	[smem:$0x3FB0] =	sst s5  }
0xe: {  	[smem:$0x3FB1] =	sst s6  }
0xf: {  	[smem:$0x3FB2] =	sst s7  }
0x10: {  	[smem:$0x3FB3] =	sst s8  }
0x11: {  	[smem:$0x3FB4] =	sst s9;
	s0 =	simm.s32 @!p0 $0x0  }
0x12: {  	s1 =	sld [smem:$0x3F9A];
	s0 =	simm.s32 @p0 $0x1  }
0x13: {  	[smem:$0x3FB5] =	sst s0;
	s0 =	simm.s32 @!p1 $0x0  }
0x14: {  	s2 =	sld [smem:$0x3F99];
	s0 =	simm.s32 @p1 $0x1  }
0x15: {  	[smem:$0x3FB6] =	sst s0;
	s0 =	simm.s32 @!p2 $0x0  }
0x16: {  	s3 =	sld [smem:$0x3FDB];
	s0 =	simm.s32 @p2 $0x1  }
0x17: {  	s4 =	simm.s32 $0x1BF5;
	[smem:$0x3FB8] =	sst s0  }
0x18: {  	s0 =	sld [smem:$0x3F9B];
	_ =	swait.ge [sflag:s4], $0x0  }
0x19: {  	s7 =	sld [smem:$0x3F9C]  }
0x1a: {  	s8 =	sadd.s32 $0xFFFFE003, lr  }
0x1b: {  	s9 =	sadd.s32 $0xFFFFFEF7, lr;
	s5 =	simm.s32 $0xFFFFFFFF;
	p2 =	slt.u32 s8, $0xFFFFF086  }
0x1c: {  	p1 =	slt.u32 s9, $0xF7A;
	s5 =	simm.s32 @!p2 $0x0  }
0x1d: {  	s5 =	simm.s32 @p1 $0x1;
	p0 =	seq.s32 s7, s2  }
0x1e: {  	s7 =	smul.u32 @!p0 $0xF7A, s2;
	p2 =	seq.s32 @!p0 s5, $0x0  }
0x1f: {  	s9 =	smul.u32 $0xF7A, s1;
	s8 =	simm.s32 @!p0 $0x1BF5;
	p2 =	por !p2, p0  }
0x20: {  	[sflag:s8] =	ssyncset.s32 @!p0 $0xFFFFF086;
	s6 =	sadd.s32 @!p0 s3, s7;
	s7 =	simm.s32 @!p0 $0x108  }
0x21: {  	s3 =	sadd.s32 s3, s9;
	s6 =	sadd.s32 @!p0 $0x88, s6;
	s7 =	simm.s32 @p2 $0x1082  }
0x22: {  	[simem:s7], [sflag:s8] =	dma.local @!p0 [hbm:s6], $0xF7A  }
0x23: {  	s9 =	sor.u32 $0xD0000000, s2;
	s6 =	simm.s32 $0x108;
	_ =	swait.ge @!p0 [sflag:s8], $0x0  }
0x24: {  	s3 =	sadd.s32 $0x88, s3;
	s6 =	simm.s32 @!p1 $0x1082;
	[sflag:s4] =	ssyncset.s32 $0xFFFFF086  }
0x25: {  	[simem:s6], [sflag:s4] =	dma.local [hbm:s3], $0xF7A  }
0x26: {  	[smem:$0x3F9C] =	sst s1;
	(tag) =	ssettag s2;
	_ =	strace s9  }
0x27: {  	s1 =	sld [smem:$0x3FAC]  }
0x28: {  	s2 =	sld [smem:$0x3FAD]  }
0x29: {  	s4 =	sld [smem:$0x3FAF]  }
0x2a: {  	p0 =	seq.s32 s5, $0x0;
	s5 =	sld [smem:$0x3FB0]  }
0x2b: {  	s6 =	sld [smem:$0x3FB1]  }
0x2c: {  	s7 =	sld [smem:$0x3FB2]  }
0x2d: {  	s3 =	simm.s32 $0x108;
	s8 =	sld [smem:$0x3FB3]  }
0x2e: {  	s3 =	simm.s32 @!p0 $0x1082;
	s9 =	sld [smem:$0x3FB4]  }
0x2f: {  	lr =	sadd.s32 s0, s3;
	s0 =	sld [smem:$0x3FAB]  }
0x30: {  	s3 =	sld [smem:$0x3FAE]  }
0x31: {  	[smem:$0x3FB7] =	sst s10  }
0x32: {  	s10 =	sld [smem:$0x3FB5];
	_ =	sdelay $0x3  }
0x33: {  	p0 =	seq.s32 s10, $0x1;
	s10 =	sld [smem:$0x3FB7];
	_ =	sdelay $0x3  }
0x34: {  	[smem:$0x3FB7] =	sst s10  }
0x35: {  	s10 =	sld [smem:$0x3FB6];
	_ =	sdelay $0x3  }
0x36: {  	p1 =	seq.s32 s10, $0x1;
	s10 =	sld [smem:$0x3FB7];
	_ =	sdelay $0x3  }
0x37: {  	[smem:$0x3FB7] =	sst s10  }
0x38: {  	s10 =	sld [smem:$0x3FB8]  }
0x39: {  	_ = 	snop;
	(pc) =	sbr.ind lr, $3  }
0x3a: {  	_ = 	snop  }
0x3b: {  	_ = 	snop  }
0x3c: {  	p2 =	seq.s32 s10, $0x1;
	s10 =	sld [smem:$0x3FB7]  }
0x3d: {  	_ =	shalt  }
0x3e: {  	_ =	shalt  }
0x3f: {  	_ =	shalt  }
0x40: {  	_ =	shalt  }
0x41: {  	_ =	shalt  }
0x42: {  	_ =	shalt  }
0x43: {  	_ =	shalt  }
0x44: {  	_ =	shalt  }
0x45: {  	_ =	shalt  }
0x46: {  	_ =	shalt  }
0x47: {  	_ =	shalt  }
0x48: {  	_ =	shalt  }
0x49: {  	_ =	shalt  }
0x4a: {  	_ =	shalt  }
0x4b: {  	_ =	shalt  }
0x4c: {  	_ =	shalt  }
0x4d: {  	_ =	shalt  }
0x4e: {  	_ =	shalt  }
0x4f: {  	_ =	shalt  }
0x50: {  	_ =	shalt  }
0x51: {  	_ =	shalt  }
0x52: {  	_ =	shalt  }
0x53: {  	_ =	shalt  }
0x54: {  	_ =	shalt  }
0x55: {  	_ =	shalt  }
0x56: {  	_ =	shalt  }
0x57: {  	_ =	shalt  }
0x58: {  	_ =	shalt  }
0x59: {  	_ =	shalt  }
0x5a: {  	_ =	shalt  }
0x5b: {  	_ =	shalt  }
0x5c: {  	_ =	shalt  }
0x5d: {  	_ =	shalt  }
0x5e: {  	_ =	shalt  }
0x5f: {  	_ =	shalt  }
0x60: {  	_ =	shalt  }
0x61: {  	_ =	shalt  }
0x62: {  	_ =	shalt  }
0x63: {  	_ =	shalt  }
0x64: {  	_ =	shalt  }
0x65: {  	_ =	shalt  }
0x66: {  	_ =	shalt  }
0x67: {  	_ =	shalt  }
0x68: {  	_ =	shalt  }
0x69: {  	_ =	shalt  }
0x6a: {  	_ =	shalt  }
0x6b: {  	_ =	shalt  }
0x6c: {  	_ =	shalt  }
0x6d: {  	_ =	shalt  }
0x6e: {  	_ =	shalt  }
0x6f: {  	_ =	shalt  }
0x70: {  	_ =	shalt  }
0x71: {  	_ =	shalt  }
0x72: {  	_ =	shalt  }
0x73: {  	_ =	shalt  }
0x74: {  	_ =	shalt  }
0x75: {  	_ =	shalt  }
0x76: {  	_ =	shalt  }
0x77: {  	_ =	shalt  }
0x78: {  	_ =	shalt  }
0x79: {  	_ =	shalt  }
0x7a: {  	_ =	shalt  }
0x7b: {  	_ =	shalt  }
0x7c: {  	_ =	shalt  }
0x7d: {  	_ =	shalt  }
0x7e: {  	_ =	shalt  }
0x7f: {  	_ =	shalt  }
0x80: {  	_ =	shalt  }
0x81: {  	_ =	shalt  }
0x82: {  	_ =	shalt  }
0x83: {  	_ =	shalt  }
0x84: {  	_ =	shalt  }
0x85: {  	_ =	shalt  }
0x86: {  	_ =	shalt  }
0x87: {  	_ =	shalt  }
.Lfunc_end0:
.L_simem_size_0:
called_computation_lowered:
.L_overlay_start_0:
0x88: {  	s2 =	sld [smem:$0x3FD9]  }
0x89: {  	s3 =	sld [smem:$0x3FFE];
	_ =	sdelay $0x1  }
0x8a: {  	s1 =	srdreg.scid  }
0x8b: {  	s0 =	sand.u32 $0x1, s1  }
0x8c: {  	s16 =	sshll.u32 s0, $0xA;
	s2 =	sadd.s32 s3, s2  }
0x8d: {  	s2 =	sadd.s32 s2, s16  }
0x8e: {  	[smem:$0x3FC3] =	sst s2  }
0x8f: {  	_ = 	snop  }
0x90: {  	(tm) =	ssettm $0x1  }
0x91: {  	s17 =	sld [smem:$0x3FFB];
	_ =	sdelay $0x3  }
0x92: {  	_ =	strace s17  }
0x93: {  	s2 =	sld [smem:$0x3FFC];
	_ =	sdelay $0x3  }
0x94: {  	_ =	strace s2  }
0x95: {  	s2 =	sld [smem:$0x3FFD];
	_ =	sdelay $0x3  }
0x96: {  	_ =	strace s2  }
0x97: {  	_ =	strace $0x8FFFFFFF  }
0x98: {  	s18 =	sld [smem:$0x3FDB];
	_ =	sdelay $0x1  }
0x99: {  	s19 =	simm.s32 $_scs_section_size  }
0x9a: {  	s4 =	simm.s32 $_size__tile_overlayer_lowered;
	s5 =	simm.s32 $_tile_overlayer_lowered  }
0x9b: {  	s22 =	simm.s32 $0x1BFF;
	s21 =	sshll.u32 s5, $0x1;
	s2 =	sadd.s32 s19, s18  }
0x9c: {  	s6 =	simm.s32 $0x0;
	s20 =	sshll.u32 s4, $0x1;
	s4 =	sadd.s32 s21, s2  }
0x9d: {  	[timem:s6], [sflag:s22] =	dma.local [hbm:s4], s20  }
0x9e: {  	_ =	swait.ge [sflag:s22], s20  }
0x9f: {  	s3 =	ssub.s32 $0x0, s20;
	[sflag:s22] =	ssyncset.done $0x0  }
0xa0: {  	[sflag:s22] =	ssyncadd.s32 s3;
	_ =	sdelay $0x1  }
0xa1: {  	s23 =	simm.s32 $0x1B8B  }
0xa2: {  	_ =	swait.ge [sflag:s23], $0x1  }
0xa3: {  	[sflag:s23] =	ssyncset.done $0x0  }
0xa4: {  	s25 =	simm.s32 $0x1B8E;
	s24 =	sld [smem:$0x3FFE];
	[sflag:s23] =	ssyncadd.s32 $0xFFFFFFFF  }
0xa5: {  	s26 =	simm.s32 $execute0_lowered;
	[smem:$0x3FD2] =	sst s25  }
0xa6: {  	s4 =	sshll.u32 s26, $0x1;
	_ =	strace $0x80000046;
	[dreg:$0x1] =	wrdreg $0xFFFFFFFF  }
0xa7: {  	s28 =	simm.s32 $_size_execute0_lowered;
	s2 =	sadd.s32 s2, s4;
	[dreg:$0x0] =	wrdreg $0x0  }
0xa8: {  	s4 =	sshll.u32 s28, $0x1;
	[dreg:$0x2] =	wrdreg s2  }
0xa9: {  	[dreg:$0x3] =	wrdreg s4  }
0xaa: {  	[dreg:$0x4] =	wrdreg $0xC0  }
0xab: {  	_ =	task [dreg:s6], $0x5FFFF  }
0xac: {  	[dreg:$0x1] =	wrdreg $0xFFFFFFFF  }
0xad: {  	[dreg:$0x0] =	wrdreg $0x60  }
0xae: {  	[dreg:$0x2] =	wrdreg s24  }
0xaf: {  	[dreg:$0x3] =	wrdreg $0x9  }
0xb0: {  	_ =	task.clear_ibuf [dreg:s6], $0x4FFFF;
	_ =	strace $0x90000046  }
0xb1: {  	s29 =	simm.s32 $0x9;
	_ =	strace $0x80000048  }
0xb2: {  	_ =	swait.ge [sflag:s29], $0x1  }
0xb3: {  	[sflag:s29] =	ssyncadd.s32 $0xFFFFFFFF  }
0xb4: {  	_ =	strace $0x90000048  }
0xb5: {  	_ =	sfence  }
0xb6: {  	s30 =	sld [smem:$0x0];
	_ =	sdelay $0x2  }
0xb7: {  	s31 =	sshll.u32 s1, $0xD;
	s1 =	sshrl.u32 s1, $0x2  }
0xb8: {  	s3 =	sand.u32 $0x4000, s31;
	s1 =	sadd.s32 s1, s30  }
0xb9: {  	s0 =	sor.u32 s3, s0;
	s1 =	sshll.u32 s1, $0x11  }
0xba: {  	s0 =	sor.u32 s1, s0  }
0xbb: {  	s0 =	sadd.s32 $0x8F2B, s0  }
0xbc: {  	[sflag:s0] =	ssyncadd.remote.s32 $0x1  }
0xbd: {  	_ =	sfence.sel $0xFFFF  }
0xbe: {  	[dreg:$0x0] =	wrdreg $0xFFFFFFFF;
	(pc) =	sbr.abs _section_cstart, $3  }
0xbf: {  	[dreg:$0x1] =	wrdreg $0xFFFFFFFF  }
0xc0: {  	_ =	task.clear_ibuf [dreg:s6], $0x2FFFF;
	_ =	strace $0x9FFFFFFF  }
0xc1: {  	(tm) =	ssettm $0x7FFFFFFF  }
tec
execute0_lowered:
.L_overlay_start_1:
0x0: {  	(tag) =	ssettag $0x1  }
0x1: {  	s3 =	rddreg [dreg:$0x0]  }
0x2: {  	s0 =	rddreg [dreg:$0x1];
	_ =	strace $0x80000047;
	v0 =	vimm.f32 $1.000000000e+01  }
0x3: {  	(erf) = vrcp.f32 v0;
	v0 =	vimm.f32 $5.000000000e+00  }
0x4: {  	(erf) = vrcp.f32 v0  }
0x5: {  	s1 =	srdreg.scid  }
0x6: {  	s2 =	sand.u32 $0x1, s1;
	s1 =	stileid.u32  }
0x7: {  	s4 =	sor.u32 s1, s2  }
0x8: {  	p0 =	sne.s32 s4, $0x0  }
.Ltmp0:
0x9: {  	_ = 	snop;
	(pc) =	sbr.rel @p0 .LBB2_11-.Ltmp0, $3  }
0xa: {  	_ =	sdelay $0x1  }
0xb: {  	v0 =	vpop (erf)  }
0xc: {  	v1 =	vpop (erf)  }
0xd: {  	v2 =	vimm.f32 $1.500000000e+01;
	vm0 =	vcmask $0x300;
	v4 =	vimm.s32 $0x3210FEDC  }
0xe: {  	v5 =	vimm.s32 $0xBA987654;
	v7 =	vimm.s32 $0x10FEDCBA;
	v9 =	vimm.s32 $0x87654321  }
0xf: {  	vm1 =	vcmask $0x3F18;
	vm2 =	vcmask $0x3F10;
	vm3 =	vcmask $0x3F0C  }
0x10: {  	vm4 =	vcmask $0x3F08;
	vm5 =	vmmov $0x1;
	v2 =	vsel vm0, $0x0, v2  }
0x11: {  	vm0 =	vcmask $0x704;
	v4 =	vunpack.c.l.s4.s8 v4;
	v5 =	vunpack.c.l.s4.s8 v5  }
0x12: {  	v9 =	vunpack.c.l.s4.s8 v9;
	v2 =	vsel vm0, $0x3F800000, v2;
	vm0 =	vcmask $0xB08  }
0x13: {  	v2 =	vsel vm0, $0x40000000, v2;
	vm0 =	vcmask $0xF0C;
	v4 =	vunpack.c.0.s8.s32 v4  }
0x14: {  	v5 =	vunpack.c.0.s8.s32 v5;
	v3 =	vsel vm0, $0x40400000, v2;
	vm0 =	vcmask $0x1310  }
0x15: {  	v9 =	vunpack.c.0.s8.s32 v9;
	v2 =	vlaneseq.u32;
	v3 =	vsel vm0, $0x40800000, v3  }
0x16: {  	vm0 =	vcmask $0x1714;
	v6 =	vmul.u32 $0xFFFFFFFF, v2;
	v8 =	vcombine.low v5, v4  }
0x17: {  	v4 =	vunpack.c.l.s4.s8 v7;
	v5 =	vimm.s32 $0x98765432;
	v7 =	vimm.s32 $0xFEDCBA9  }
0x18: {  	v3 =	vsel vm0, $0x40A00000, v3;
	vm0 =	vcmask $0x1B18;
	v5 =	vunpack.c.l.s4.s8 v5  }
0x19: {  	v7 =	vunpack.c.l.s4.s8 v7;
	v3 =	vsel vm0, $0x40C00000, v3;
	vm0 =	vcmask $0x1F1C  }
0x1a: {  	v4 =	vunpack.c.0.s8.s32 v4;
	v3 =	vsel vm0, $0x40E00000, v3;
	vm0 =	vcmask $0x2320  }
0x1b: {  	v5 =	vunpack.c.0.s8.s32 v5;
	v3 =	vsel vm0, $0x41000000, v3;
	vm0 =	vcmask $0x2724  }
0x1c: {  	v7 =	vunpack.c.0.s8.s32 v7;
	v3 =	vsel vm0, $0x41100000, v3;
	vm0 =	vcmask $0x2B28  }
0x1d: {  	v10 =	vcombine.low v5, v4;
	v4 =	vimm.s32 $0xFEDCBA98;
	v5 =	vimm.s32 $0x76543210  }
0x1e: {  	v4 =	vunpack.c.l.s4.s8 v4;
	v3 =	vsel vm0, $0x41200000, v3;
	vm0 =	vcmask $0x2F2C  }
0x1f: {  	v5 =	vunpack.c.l.s4.s8 v5;
	v3 =	vsel vm0, $0x41300000, v3;
	vm0 =	vcmask $0x3330  }
0x20: {  	v9 =	vcombine.low v9, v7;
	v3 =	vsel vm0, $0x41400000, v3;
	vm0 =	vcmask $0x3734  }
0x21: {  	v4 =	vunpack.c.0.s8.s32 v4;
	v5 =	vunpack.c.0.s8.s32 v5;
	v7 =	vsel vm0, $0x41500000, v3  }
0x22: {  	s4 =	ssub.s32 $0x2, s2;
	s2 =	sadd.s32 $0x800, s3;
	s3 =	sadd.s32 $0x2400, s3;
	vm0 =	vcmask $0x3B38;
	v3 =	vadd.s32 $0x1388, v6;
	v6 =	vand.u32 $0xF, v8  }
0x23: {  	s6 =	simm.s32 $0x1;
	s7 =	simm.s32 $0x17C00;
	s5 =	sshrl.u32 s4, $0x1;
	v8 =	vand.u32 $0xF, v9;
	v11 =	vand.u32 $0xF, v4;
	v4 =	vsel vm0, $0x41600000, v7  }
0x24: {  	s8 =	simm.s32 $0x0;
	s4 =	ssub.s32 s4, s5;
	s5 =	simm.s32 $0x0;
	v7 =	vand.u32 $0xF, v10;
	vm0 =	vcmask $0x3F1C;
	v5 =	vcombine.low v11, v5  }
.LBB2_2:
0x25: {  	[tilespmem:s5], [sflag:$0x1] =	stream.linear.gather [hbm4b:s2+s5], $0xDC00, $0x38;
	[tilespmem:$0x1B000] =	vst v63  }
0x26: {  	_ =	swait.ge [sflag:s6], $0xDC00  }
0x27: {  	[sflag:s6] =	ssyncset.done $0x0  }
0x28: {  	s11 =	sand.u32 $0x1FF0, s5;
	[sflag:s6] =	ssyncadd.s32 $0xFFFF2400  }
0x29: {  	v9 =	vld [tilespmem:s11+$0x7800]  }
0x2a: {  	v10 =	vld [tilespmem:s11+$0x8C00];
	_ =	sdelay $0x3  }
0x2b: {  	v9 =	vmul.f32 v9, v1  }
0x2c: {  	v10 =	vmul.f32 v10, v1  }
0x2d: {  	v9 =	vmin.f32 v9, $4.422598360e+00  }
0x2e: {  	v11 =	vld [tilespmem:s11+$0x2800];
	v10 =	vmin.f32 v10, $4.422598360e+00;
	v9 =	vmul.f32 $1.442695020e+00, v9  }
0x2f: {  	v12 =	vld [tilespmem:s11+$0x6400];
	v10 =	vmul.f32 $1.442695020e+00, v10  }
0x30: {  	v13 =	vld [tilespmem:s11+$0x5000];
	(erf) = vpow2.f32 v9  }
0x31: {  	s9 =	simm.s32 $0x0;
	v14 =	vld [tilespmem:s11+$0x1400];
	(erf) = vpow2.f32 v10  }
0x32: {  	v9 =	vld [tilespmem:s9+$0x0]  }
0x33: {  	v10 =	vld [tilespmem:s11+$0x3C00];
	_ =	sdelay $0x3  }
0x34: {  	v13 =	vmul.f32 v13, v0;
	v15 =	vadd.f32 v11, v9;
	v9 =	vsub.f32 v11, v9  }
0x35: {  	v11 =	vmul.f32 v12, v0;
	v53 =	vadd.f32 v10, v14  }
0x36: {  	v10 =	vsub.f32 v10, v14;
	v54 =	vmul.f32 $5.000000000e-01, v15;
	v13 =	vmul.f32 v13, v9;
	v55 =	vpop (erf)  }
0x37: {  	v12 =	vmul.f32 $5.000000000e-01, v53;
	v9 =	vmul.f32 v55, v9;
	v56 =	vpop (erf)  }
0x38: {  	v15 =	vmul.f32 v56, v10;
	v10 =	vmul.f32 v11, v10  }
0x39: {  	v11 =	vadd.f32 v13, v54;
	v9 =	vmul.f32 $5.000000000e-01, v9  }
0x3a: {  	v10 =	vadd.f32 v10, v12;
	v57 =	vmul.f32 $5.000000000e-01, v15  }
0x3b: {  	v13 =	vsub.f32 v11, v9;
	v9 =	vadd.f32 v9, v11  }
0x3c: {  	v11 =	vsub.f32 v10, v57;
	v10 =	vadd.f32 v57, v10  }
0x3d: {  	v58 =	vmax.f32 v13, $0.0e+00;
	v9 =	vmax.f32 v9, $0.0e+00  }
0x3e: {  	v59 =	vld [tilespmem:s11+$0xA000];
	v12 =	vmin.f32 v58, $1.024000000e+03;
	v11 =	vmax.f32 v11, $0.0e+00;
	v10 =	vmax.f32 v10, $0.0e+00  }
0x3f: {  	v9 =	vmin.f32 v9, $1.024000000e+03;
	v11 =	vmin.f32 v11, $1.024000000e+03;
	v10 =	vmin.f32 v10, $1.024000000e+03  }
0x40: {  	v60 =	vsub.f32 v9, v12;
	v61 =	vsub.f32 v10, v11;
	_ =	sdelay $0x1  }
0x41: {  	v16 =	vmul.f32 v61, v60  }
0x42: {  	vm6 =	vgt.f32 v59, $5.000000070e-02;
	[tilespmem:s9+$0xF000] =	vst v11;
	v11 =	vmov s5  }
0x43: {  	[tilespmem:s9+$0xDC00] =	vst v12;
	v62 =	vmax.f32 v60, $0.0e+00;
	v63 =	vmax.f32 v61, $0.0e+00;
	vm7 =	vgt.f32 v16, $0.0e+00  }
0x44: {  	[tilespmem:s9+$0x10400] =	vst v9;
	vm8 =	vlt.u32 v11, v3;
	v9 =	vmul.f32 v63, v62;
	vm6 =	vmand vm6, vm7  }
0x45: {  	[tilespmem:s9+$0x11800] =	vst v10;
	vm6 =	vmand vm8, vm6  }
0x46: {  	[tilespmem:s9+$0x12C00] =	vst v9;
	v9 =	vnsel vm6, $0xF149F2CA, v59  }
0x47: {  	[tilespmem:s9+$0x14000] =	vst v9  }
0x48: {  	v9 =	vld [tilespmem:s11+$0xB400];
	_ =	sdelay $0x4  }
0x49: {  	[tilespmem:s9+$0x15400] =	vst v9  }
0x4a: {  	s10 =	simm.s32 $0x40;
	v9 =	vld [tilespmem:s11+$0xC800];
	s11 =	simm.s32 $0x0  }
.LBB2_3:
0x4b: {  	p0 =	sne.s32 s10, $0x4FC0  }
0x4c: {  	s11 =	sadd.s32 $0x10, s11;
	s13 =	smov.u32 s10;
	s10 =	sadd.s32 $0x40, s10  }
0x4d: {  	s12 =	sand.u32 $0x1FF0, s11;
	_ =	sdelay $0x2  }
0x4e: {  	[tilespmem:s9+$0x16800] =	vst v9  }
0x4f: {  	v9 =	vld [tilespmem:s12+$0x7800]  }
0x50: {  	v10 =	vld [tilespmem:s12+$0x8C00];
	_ =	sdelay $0x3  }
0x51: {  	v9 =	vmul.f32 v9, v1  }
0x52: {  	v10 =	vmul.f32 v10, v1  }
0x53: {  	v9 =	vmin.f32 v9, $4.422598360e+00  }
0x54: {  	v11 =	vld [tilespmem:s12+$0x2800];
	v9 =	vmul.f32 $1.442695020e+00, v9;
	v10 =	vmin.f32 v10, $4.422598360e+00  }
0x55: {  	v12 =	vld [tilespmem:s12+$0x6400];
	v10 =	vmul.f32 $1.442695020e+00, v10  }
0x56: {  	s9 =	sshra.s32 s13, $0x2;
	v13 =	vld [tilespmem:s12+$0x5000];
	(erf) = vpow2.f32 v9  }
0x57: {  	v9 =	vld [tilespmem:s9+$0x0];
	(erf) = vpow2.f32 v10  }
0x58: {  	v10 =	vld [tilespmem:s12+$0x3C00]  }
0x59: {  	v14 =	vld [tilespmem:s12+$0x1400];
	_ =	sdelay $0x2  }
0x5a: {  	v16 =	vadd.f32 v11, v9  }
0x5b: {  	v13 =	vmul.f32 v13, v0;
	v9 =	vsub.f32 v11, v9  }
0x5c: {  	v11 =	vmul.f32 v12, v0;
	v12 =	vsub.f32 v10, v14;
	v10 =	vadd.f32 v10, v14  }
0x5d: {  	v14 =	vmul.f32 $5.000000000e-01, v16;
	v13 =	vmul.f32 v13, v9;
	v15 =	vpop (erf)  }
0x5e: {  	v10 =	vmul.f32 $5.000000000e-01, v10;
	v9 =	vmul.f32 v15, v9;
	v15 =	vpop (erf)  }
0x5f: {  	v11 =	vmul.f32 v11, v12;
	v15 =	vmul.f32 v15, v12  }
0x60: {  	v12 =	vadd.f32 v13, v14;
	v9 =	vmul.f32 $5.000000000e-01, v9  }
0x61: {  	v10 =	vadd.f32 v11, v10;
	v11 =	vmul.f32 $5.000000000e-01, v15  }
0x62: {  	v13 =	vsub.f32 v12, v9;
	v9 =	vadd.f32 v9, v12  }
0x63: {  	v12 =	vsub.f32 v10, v11;
	v10 =	vadd.f32 v11, v10  }
0x64: {  	v11 =	vmax.f32 v13, $0.0e+00;
	v9 =	vmax.f32 v9, $0.0e+00  }
0x65: {  	v13 =	vld [tilespmem:s12+$0xA000];
	v11 =	vmin.f32 v11, $1.024000000e+03;
	v12 =	vmax.f32 v12, $0.0e+00;
	v10 =	vmax.f32 v10, $0.0e+00  }
0x66: {  	v9 =	vmin.f32 v9, $1.024000000e+03;
	v12 =	vmin.f32 v12, $1.024000000e+03;
	v10 =	vmin.f32 v10, $1.024000000e+03;
	[tilespmem:s9+$0xDC00] =	vst v11  }
0x67: {  	v11 =	vsub.f32 v9, v11;
	v14 =	vsub.f32 v10, v12;
	[tilespmem:s9+$0xF000] =	vst v12  }
0x68: {  	[tilespmem:s9+$0x10400] =	vst v9  }
0x69: {  	v9 =	vmax.f32 v11, $0.0e+00;
	v12 =	vmax.f32 v14, $0.0e+00;
	v11 =	vmul.f32 v14, v11;
	[tilespmem:s9+$0x11800] =	vst v10  }
0x6a: {  	v10 =	vmov s11;
	v9 =	vmul.f32 v12, v9;
	vm6 =	vgt.f32 v13, $5.000000070e-02  }
0x6b: {  	vm8 =	vlt.u32 v10, v3;
	vm7 =	vgt.f32 v11, $0.0e+00  }
0x6c: {  	vm6 =	vmand vm6, vm7;
	[tilespmem:s9+$0x12C00] =	vst v9  }
0x6d: {  	vm6 =	vmand vm8, vm6  }
0x6e: {  	v9 =	vnsel vm6, $0xF149F2CA, v13  }
0x6f: {  	[tilespmem:s9+$0x14000] =	vst v9  }
0x70: {  	v9 =	vld [tilespmem:s12+$0xB400];
	_ =	sdelay $0x1  }
.Ltmp1:
0x71: {  	(pc) =	sbr.rel @p0 .LBB2_3-.Ltmp1, $3  }
0x72: {  	_ =	sdelay $0x1  }
0x73: {  	[tilespmem:s9+$0x15400] =	vst v9  }
0x74: {  	v9 =	vld [tilespmem:s12+$0xC800]  }
0x75: {  	_ =	sdelay $0x3  }
0x76: {  	s12 =	simm.s32 $0x0;
	[tilespmem:s9+$0x16800] =	vst v9  }
0x77: {  	v25 =	vld [tilespmem:s12+$0xDC00]  }
0x78: {  	v26 =	vld [tilespmem:s12+$0xF000]  }
0x79: {  	v27 =	vld [tilespmem:s12+$0x10400]  }
0x7a: {  	v29 =	vld [tilespmem:s12+$0x11800];
	_ =	sdelay $0x3  }
0x7b: {  	v9 =	vld [tilespmem:s12+$0x12C00];
	v10 =	vmax.f32 v25, $0.0e+00  }
0x7c: {  	v11 =	vmin.f32 v27, $0.0e+00;
	v12 =	vmax.f32 v26, $0.0e+00;
	v13 =	vmin.f32 v29, $0.0e+00  }
0x7d: {  	s14 =	simm.s32 $0x10;
	v10 =	vsub.f32 v11, v10;
	v11 =	vsub.f32 v13, v12  }
0x7e: {  	v23 =	vld [tilespmem:s14+$0xF000]  }
0x7f: {  	v24 =	vld [tilespmem:s14+$0x10400];
	v10 =	vmax.f32 v10, $0.0e+00;
	v11 =	vmax.f32 v11, $0.0e+00  }
0x80: {  	v9 =	vadd.f32 $0.0e+00, v9;
	v12 =	vld [tilespmem:s14+$0xDC00];
	v15 =	vmul.f32 v11, v10  }
0x81: {  	v13 =	vld [tilespmem:s14+$0x11800]  }
0x82: {  	v9 =	vsub.f32 v9, v15;
	_ =	sdelay $0x1  }
0x83: {  	v9 =	vmax.f32 v9, $9.999999930e-09  }
0x84: {  	v16 =	vmax.f32 v23, $0.0e+00;
	v11 =	vld [tilespmem:s14+$0x12C00];
	(erf) = vrcp.f32 v9  }
0x85: {  	v14 =	vmax.f32 v12, $0.0e+00;
	v17 =	vmin.f32 v13, $0.0e+00;
	v9 =	vmin.f32 v24, $0.0e+00  }
0x86: {  	s11 =	simm.s32 $0x20;
	v16 =	vsub.f32 v17, v16;
	v9 =	vsub.f32 v9, v14  }
0x87: {  	v21 =	vld [tilespmem:s11+$0xDC00]  }
0x88: {  	s9 =	simm.s32 $0x0;
	v17 =	vmax.f32 v16, $0.0e+00;
	v16 =	vld [tilespmem:s11+$0x10400];
	v9 =	vmax.f32 v9, $0.0e+00  }
0x89: {  	s10 =	scvt.s32.f32 s9;
	v11 =	vadd.f32 $0.0e+00, v11;
	v14 =	vld [tilespmem:s11+$0xF000];
	v28 =	vmul.f32 v17, v9  }
0x8a: {  	v9 =	vld [tilespmem:s11+$0x11800]  }
0x8b: {  	v20 =	vld [tilespmem:s11+$0x12C00];
	s13 =	smul.f32 $1.600000000e+01, s10;
	v11 =	vsub.f32 v11, v28  }
0x8c: {  	v30 =	vimm.f32 $-1.000000020e+30;
	v17 =	vld [tilespmem:s12+$0x14000]  }
0x8d: {  	v61 =	vimm.f32 $1.000000000e+09;
	v18 =	vld [tilespmem:s14+$0x16800];
	v35 =	vadd.f32 s13, v4;
	v19 =	vmax.f32 v11, $9.999999930e-09;
	v22 =	vpop (erf)  }
0x8e: {  	v31 =	vmax.f32 v21, $0.0e+00;
	v10 =	vld [tilespmem:s14+$0x15400];
	(erf) = vrcp.f32 v19;
	v19 =	vmul.f32 v22, v15  }
0x8f: {  	v32 =	vmax.f32 v14, $0.0e+00;
	v11 =	vld [tilespmem:s11+$0x15400];
	v33 =	vmin.f32 v9, $0.0e+00;
	v22 =	vmin.f32 v16, $0.0e+00  }
0x90: {  	s10 =	simm.s32 $0x30;
	v15 =	vld [tilespmem:s11+$0x16800];
	v22 =	vsub.f32 v22, v31;
	v31 =	vsub.f32 v33, v32;
	vm6 =	vge.f32 v19, $5.000000000e-01  }
0x91: {  	v37 =	vadd.f32 $0.0e+00, v20;
	vm7 =	vlt.f32 v35, v61;
	v19 =	vld [tilespmem:s10+$0xDC00];
	v34 =	vsel vm6, $0xF149F2CA, v17  }
0x92: {  	v17 =	vld [tilespmem:s10+$0xF000];
	v22 =	vmax.f32 v22, $0.0e+00;
	v31 =	vmax.f32 v31, $0.0e+00;
	[tilespmem:s12+$0x14000] =	vst v34;
	vm6 =	veq.f32 v34, v30  }
0x93: {  	v38 =	vmul.f32 v31, v22;
	vm8 =	vgt.f32 v34, v30;
	v20 =	vld [tilespmem:s10+$0x10400];
	vm6 =	vmand vm7, vm6  }
0x94: {  	v22 =	vld [tilespmem:s10+$0x11800];
	vm6 =	vmor vm8, vm6  }
0x95: {  	v33 =	vimm.f32 $0.0e+00;
	v37 =	vsub.f32 v37, v38;
	v34 =	vsel vm6, v34, v30  }
0x96: {  	s13 =	simm.s32 $0x1;
	v42 =	vld [tilespmem:s14+$0x14000];
	v31 =	vsel vm6, v35, v61;
	v32 =	vsel vm6, v25, v33;
	v35 =	vsel vm6, v26, v33  }
0x97: {  	s15 =	scvt.s32.f32 s13;
	v40 =	vld [tilespmem:s10+$0x12C00];
	v30 =	vsel vm6, v27, v33;
	v25 =	vmax.f32 v19, $0.0e+00;
	v26 =	vpop (erf);
	v27 =	vmax.f32 v37, $9.999999930e-09  }
0x98: {  	v36 =	vld [tilespmem:s12+$0x15400];
	v41 =	vmax.f32 v17, $0.0e+00;
	v37 =	vsel vm6, v29, v33;
	v26 =	vmul.f32 v26, v28  }
0x99: {  	v39 =	vld [tilespmem:s12+$0x16800];
	s15 =	smul.f32 $1.600000000e+01, s15;
	(erf) = vrcp.f32 v27;
	v62 =	vmin.f32 v20, $0.0e+00;
	v43 =	vmin.f32 v22, $0.0e+00  }
0x9a: {  	v29 =	vld [tilespmem:s10+$0x16800];
	v44 =	vsub.f32 v62, v25;
	v27 =	vsub.f32 v43, v41;
	vm7 =	vge.f32 v26, $5.000000000e-01  }
0x9b: {  	s12 =	simm.s32 $0x40;
	v28 =	vld [tilespmem:s10+$0x15400];
	v41 =	vadd.f32 s15, v4;
	v42 =	vsel vm7, $0xF149F2CA, v42  }
0x9c: {  	v25 =	vld [tilespmem:s12+$0xDC00];
	v63 =	vmax.f32 v44, $0.0e+00;
	v44 =	vadd.f32 $0.0e+00, v40;
	v27 =	vmax.f32 v27, $0.0e+00  }
0x9d: {  	v26 =	vld [tilespmem:s12+$0xF000];
	[tilespmem:s14+$0x14000] =	vst v42;
	vm8 =	veq.f32 v42, v34;
	vm9 =	vlt.f32 v41, v31;
	vm7 =	vgt.f32 v42, v34  }
0x9e: {  	s14 =	simm.s32 $0x140;
	v40 =	vimm.f32 $0.0e+00;
	v43 =	vmul.f32 v27, v63;
	v27 =	vld [tilespmem:s12+$0x10400];
	vm8 =	vmand vm9, vm8  }
.LBB2_5:
0x9f: {  	v33 =	vsel vm6, v36, v33;
	v40 =	vsel vm6, v39, v40;
	vm6 =	vmor vm7, vm8;
	v36 =	vmovc v10;
	v10 =	vmovc v11  }
0xa0: {  	p0 =	sne.s32 s14, $0x4FC0;
	v45 =	vld [tilespmem:s12+$0x11800];
	v11 =	vmovc v28;
	v39 =	vmovc v18;
	v18 =	vmov v15;
	v15 =	vmov v29;
	v46 =	vmov v38  }
0xa1: {  	s13 =	sadd.s32 $0x1, s13;
	v47 =	vld [tilespmem:s12+$0x12C00];
	v29 =	vsub.f32 v44, v43;
	v34 =	vsel vm6, v42, v34;
	v31 =	vsel vm6, v41, v31;
	v38 =	vmovc v43  }
0xa2: {  	s15 =	scvt.s32.f32 s13;
	v32 =	vsel vm6, v12, v32;
	v35 =	vsel vm6, v23, v35;
	v30 =	vsel vm6, v24, v30;
	v12 =	vmovc v21;
	v42 =	vld [tilespmem:s11+$0x14000]  }
0xa3: {  	v37 =	vsel vm6, v13, v37;
	v48 =	vmax.f32 v25, $0.0e+00;
	v28 =	vld [tilespmem:s12+$0x15400];
	v23 =	vmax.f32 v29, $9.999999930e-09;
	v24 =	vpop (erf)  }
0xa4: {  	v13 =	vmovc v9;
	v9 =	vmovc v22;
	s15 =	smul.f32 $1.600000000e+01, s15;
	v41 =	vmin.f32 v27, $0.0e+00;
	v29 =	vld [tilespmem:s12+$0x16800];
	(erf) = vrcp.f32 v23;
	v46 =	vmul.f32 v24, v46  }
.Ltmp2:
0xa5: {  	v21 =	vmovc v19;
	v24 =	vmax.f32 v26, $0.0e+00;
	v43 =	vmin.f32 v45, $0.0e+00;
	v44 =	vsub.f32 v41, v48;
	v22 =	vmovc v45;
	(pc) =	sbr.rel @p0 .LBB2_5-.Ltmp2, $4  }
0xa6: {  	s16 =	sshra.s32 s14, $0x2;
	v19 =	vmovc v25;
	v41 =	vadd.f32 s15, v4;
	v48 =	vsub.f32 v43, v24;
	vm7 =	vge.f32 v46, $5.000000000e-01;
	v23 =	vmovc v14  }
0xa7: {  	v14 =	vmovc v17;
	v17 =	vmovc v26;
	v25 =	vld [tilespmem:s16+$0xDC00];
	v43 =	vmax.f32 v44, $0.0e+00;
	v44 =	vadd.f32 $0.0e+00, v47;
	v42 =	vsel vm7, $0xF149F2CA, v42  }
0xa8: {  	vm9 =	vlt.f32 v41, v31;
	v24 =	vmovc v16;
	v26 =	vld [tilespmem:s16+$0xF000];
	v45 =	vmax.f32 v48, $0.0e+00;
	[tilespmem:s11+$0x14000] =	vst v42;
	vm8 =	veq.f32 v42, v34;
	s11 =	smov.u32 s10;
	s10 =	smov.u32 s12;
	s12 =	smov.u32 s16  }
0xa9: {  	s14 =	sadd.s32 $0x40, s14;
	v16 =	vmovc v20;
	v20 =	vmovc v27;
	vm7 =	vgt.f32 v42, v34;
	v43 =	vmul.f32 v45, v43;
	vm8 =	vmand vm9, vm8;
	v27 =	vld [tilespmem:s12+$0x10400]  }
0xaa: {  	v45 =	vld [tilespmem:s12+$0x11800];
	_ =	sdelay $0x3  }
0xab: {  	v46 =	vld [tilespmem:s12+$0x12C00];
	v44 =	vsub.f32 v44, v43;
	v47 =	vmax.f32 v25, $0.0e+00  }
0xac: {  	v49 =	vmax.f32 v26, $0.0e+00;
	v48 =	vmin.f32 v27, $0.0e+00;
	v50 =	vmin.f32 v45, $0.0e+00  }
0xad: {  	v44 =	vmax.f32 v44, $9.999999930e-09;
	v47 =	vsub.f32 v48, v47;
	v61 =	vsub.f32 v50, v49  }
0xae: {  	(erf) = vrcp.f32 v44  }
0xaf: {  	v62 =	vld [tilespmem:s11+$0x14000];
	v47 =	vmax.f32 v47, $0.0e+00;
	v48 =	vmax.f32 v61, $0.0e+00  }
0xb0: {  	v63 =	vpop (erf);
	v46 =	vadd.f32 $0.0e+00, v46;
	v47 =	vmul.f32 v48, v47  }
0xb1: {  	v38 =	vmul.f32 v63, v38  }
0xb2: {  	s13 =	sadd.s32 $0x1, s13;
	v46 =	vsub.f32 v46, v47  }
0xb3: {  	s14 =	scvt.s32.f32 s13;
	vm9 =	vge.f32 v38, $5.000000000e-01  }
0xb4: {  	v52 =	vld [tilespmem:s12+$0x15400];
	v38 =	vsel vm9, $0xF149F2CA, v62;
	v46 =	vmax.f32 v46, $9.999999930e-09  }
0xb5: {  	v53 =	vld [tilespmem:s12+$0x16800];
	v33 =	vsel vm6, v36, v33;
	vm7 =	vmor vm7, vm8;
	s14 =	smul.f32 $1.600000000e+01, s14;
	[tilespmem:s11+$0x14000] =	vst v38;
	(erf) = vrcp.f32 v46  }
0xb6: {  	v54 =	vsel vm6, v39, v40;
	v34 =	vsel vm7, v42, v34;
	v31 =	vsel vm7, v41, v31;
	v56 =	vld [tilespmem:s10+$0x14000]  }
0xb7: {  	v12 =	vsel vm7, v12, v32;
	v23 =	vsel vm7, v23, v35;
	s30 =	sadd.s32 $0x1, s13;
	v55 =	vadd.f32 s14, v4;
	v57 =	vpop (erf)  }
0xb8: {  	v24 =	vsel vm7, v24, v30;
	v13 =	vsel vm7, v13, v37;
	s13 =	scvt.s32.f32 s30;
	v58 =	vmul.f32 v57, v43  }
0xb9: {  	v10 =	vsel vm7, v10, v33;
	vm14 =	vlt.f32 v55, v31;
	vm6 =	veq.f32 v38, v34  }
0xba: {  	s13 =	smul.f32 $1.600000000e+01, s13;
	vm9 =	vgt.f32 v38, v34;
	vm6 =	vmand vm14, vm6;
	vm15 =	vge.f32 v58, $5.000000000e-01  }
0xbb: {  	v18 =	vsel vm7, v18, v54;
	vm6 =	vmor vm9, vm6;
	v59 =	vsel vm15, $0xF149F2CA, v56  }
0xbc: {  	s31 =	sadd.s32 $0x1, s30;
	v61 =	vadd.f32 s13, v4;
	v60 =	vsel vm6, v38, v34;
	v31 =	vsel vm6, v55, v31;
	[tilespmem:s10+$0x14000] =	vst v59  }
0xbd: {  	v12 =	vsel vm6, v21, v12;
	v14 =	vsel vm6, v14, v23;
	v16 =	vsel vm6, v16, v24;
	s10 =	scvt.s32.f32 s31;
	v62 =	vld [tilespmem:s12+$0x14000]  }
0xbe: {  	v9 =	vsel vm6, v9, v13;
	vm12 =	vlt.f32 v61, v31;
	vm7 =	veq.f32 v59, v60;
	v13 =	vpop (erf)  }
0xbf: {  	vm13 =	vgt.f32 v59, v60;
	vm7 =	vmand vm12, vm7;
	s10 =	smul.f32 $1.600000000e+01, s10;
	v13 =	vmul.f32 v13, v47  }
0xc0: {  	v10 =	vsel vm6, v11, v10;
	v11 =	vsel vm6, v15, v18;
	vm7 =	vmor vm13, vm7  }
0xc1: {  	v15 =	vsel vm7, v59, v60;
	vm6 =	vge.f32 v13, $5.000000000e-01;
	v13 =	vadd.f32 s10, v4  }
0xc2: {  	v18 =	vsel vm7, v61, v31;
	v12 =	vsel vm7, v19, v12;
	v19 =	vsel vm6, $0xF149F2CA, v62  }
0xc3: {  	v14 =	vsel vm7, v17, v14;
	vm6 =	veq.f32 v19, v15;
	vm14 =	vlt.f32 v13, v18  }
0xc4: {  	v16 =	vsel vm7, v20, v16;
	vm15 =	vgt.f32 v19, v15;
	vm6 =	vmand vm14, vm6  }
0xc5: {  	v17 =	vsel vm7, v22, v9;
	v63 =	vsel vm7, v28, v10;
	vm6 =	vmor vm15, vm6  }
0xc6: {  	v11 =	vsel vm7, v29, v11;
	v9 =	vsel vm6, v19, v15;
	v10 =	vsel vm6, v13, v18  }
0xc7: {  	v15 =	vsel vm6, v25, v12;
	v13 =	vsel vm6, v26, v14;
	v16 =	vsel vm6, v27, v16  }
0xc8: {  	[tilespmem:s12+$0x14000] =	vst v19;
	v14 =	vsel vm6, v45, v17;
	v12 =	vsel vm6, v52, v63;
	v11 =	vsel vm6, v53, v11  }
.LBB2_7:
0xc9: {  	v17 =	vperm.xlane v9, v5;
	v18 =	vperm.xlane v10, v5  }
0xca: {  	v19 =	vperm.xlane v15, v5  }
0xcb: {  	v20 =	vperm.xlane v13, v5;
	vm6 =	veq.f32 v17, v9;
	vm7 =	vlt.f32 v18, v10  }
0xcc: {  	v21 =	vperm.xlane v16, v5;
	vm8 =	vgt.f32 v17, v9;
	vm6 =	vmand vm6, vm7  }
0xcd: {  	v22 =	vperm.xlane v14, v5;
	v23 =	vperm.xlane v12, v5;
	vm6 =	vmor vm8, vm6  }
0xce: {  	v24 =	vperm.xlane v11, v5;
	v9 =	vsel vm6, v17, v9;
	v10 =	vsel vm6, v18, v10  }
0xcf: {  	v15 =	vsel vm6, v19, v15;
	v13 =	vsel vm6, v20, v13;
	v16 =	vsel vm6, v21, v16  }
0xd0: {  	v14 =	vsel vm6, v22, v14;
	v17 =	vperm.xlane v9, v6;
	v18 =	vperm.xlane v10, v6  }
0xd1: {  	v12 =	vsel vm6, v23, v12;
	v11 =	vsel vm6, v24, v11;
	v19 =	vperm.xlane v15, v6  }
0xd2: {  	v20 =	vperm.xlane v13, v6;
	vm6 =	veq.f32 v17, v9;
	vm7 =	vlt.f32 v18, v10  }
0xd3: {  	v21 =	vperm.xlane v16, v6;
	vm8 =	vgt.f32 v17, v9;
	vm6 =	vmand vm6, vm7  }
0xd4: {  	v22 =	vperm.xlane v14, v6;
	v23 =	vperm.xlane v12, v6;
	vm6 =	vmor vm8, vm6  }
0xd5: {  	v24 =	vperm.xlane v11, v6;
	v9 =	vsel vm6, v17, v9;
	v10 =	vsel vm6, v18, v10  }
0xd6: {  	v15 =	vsel vm6, v19, v15;
	v13 =	vsel vm6, v20, v13;
	v16 =	vsel vm6, v21, v16  }
0xd7: {  	v14 =	vsel vm6, v22, v14;
	v17 =	vperm.xlane v9, v7;
	v18 =	vperm.xlane v10, v7  }
0xd8: {  	v12 =	vsel vm6, v23, v12;
	v11 =	vsel vm6, v24, v11;
	v19 =	vperm.xlane v15, v7  }
0xd9: {  	v20 =	vperm.xlane v13, v7;
	vm6 =	veq.f32 v17, v9;
	vm7 =	vlt.f32 v18, v10  }
0xda: {  	v21 =	vperm.xlane v16, v7;
	vm8 =	vgt.f32 v17, v9;
	vm6 =	vmand vm6, vm7  }
0xdb: {  	v22 =	vperm.xlane v14, v7;
	v23 =	vperm.xlane v12, v7;
	vm6 =	vmor vm8, vm6  }
0xdc: {  	v24 =	vperm.xlane v11, v7;
	v9 =	vsel vm6, v17, v9;
	v10 =	vsel vm6, v18, v10  }
0xdd: {  	v17 =	vperm.xlane v9, v8;
	v18 =	vperm.xlane v10, v8  }
0xde: {  	v15 =	vsel vm6, v19, v15;
	v12 =	vsel vm6, v23, v12;
	v11 =	vsel vm6, v24, v11  }
0xdf: {  	v19 =	vperm.xlane v12, v8;
	vm7 =	veq.f32 v17, v9;
	vm8 =	vlt.f32 v18, v10  }
0xe0: {  	v10 =	vperm.xlane v11, v8;
	vm7 =	vmand vm7, vm8;
	vm8 =	vgt.f32 v17, v9  }
0xe1: {  	v13 =	vsel vm6, v20, v13;
	v16 =	vsel vm6, v21, v16;
	vm7 =	vmor vm8, vm7  }
0xe2: {  	v14 =	vsel vm6, v22, v14;
	v12 =	vsel vm7, v19, v12;
	v10 =	vsel vm7, v10, v11  }
0xe3: {  	v11 =	vperm.xlane v14, v8;
	v9 =	vsel vm7, v17, v9;
	v10 =	vsel vm0, v10, v12  }
0xe4: {  	vm6 =	veq.s32 v2, $0x4;
	v17 =	vperm.xlane v16, v8;
	v10 =	vsel vm1, v10, v9  }
0xe5: {  	v18 =	vperm.xlane v13, v8;
	v21 =	vsel vm7, v11, v14;
	v10 =	vsel vm6, $0x3F800000, v10  }
0xe6: {  	v12 =	vperm.xlane v15, v8;
	v22 =	vsel vm7, v17, v16;
	v10 =	vsel vm2, v10, v21  }
0xe7: {  	v25 =	vsel vm7, v18, v13;
	v16 =	vimm.f32 $0.0e+00;
	v10 =	vsel vm3, v10, v22  }
0xe8: {  	v23 =	vsel vm7, v12, v15;
	vm6 =	vgt.f32 v9, $-5.000000080e+29;
	v9 =	vsel vm4, v10, v25  }
0xe9: {  	v10 =	vsel vm6, $0x3F800000, v16;
	v9 =	vsel vm5, v23, v9  }
0xea: {  	s10 =	sshll.u32 s9, $0x7;
	v9 =	vmul.f32 v9, v10  }
0xeb: {  	s10 =	sand.u32 $0x3FFFFF80, s10  }
0xec: {  	s13 =	simm.s32 $0x0;
	[tilespmem:s10+$0x17C00] =	vst v9  }
0xed: {  	v14 =	vld [tilespmem:s13+$0x11800]  }
0xee: {  	v17 =	vld [tilespmem:s13+$0x10400]  }
0xef: {  	v27 =	vld [tilespmem:s13+$0xF000]  }
0xf0: {  	v29 =	vld [tilespmem:s13+$0xDC00];
	_ =	sdelay $0x1  }
0xf1: {  	v10 =	vsub.f32 v21, v25;
	_ =	sdelay $0x1  }
0xf2: {  	v9 =	vsub.f32 v22, v23;
	v10 =	vmax.f32 v10, $0.0e+00;
	v11 =	vld [tilespmem:s13+$0x12C00];
	v12 =	vmin.f32 v17, v22  }
0xf3: {  	v13 =	vmin.f32 v14, v21;
	v15 =	vmax.f32 v27, v25;
	v18 =	vmax.f32 v29, v23  }
0xf4: {  	v9 =	vmax.f32 v9, $0.0e+00;
	v13 =	vsub.f32 v13, v15;
	v12 =	vsub.f32 v12, v18  }
0xf5: {  	s12 =	simm.s32 $0x10;
	v28 =	vmul.f32 v10, v9  }
0xf6: {  	v18 =	vld [tilespmem:s12+$0xF000];
	v9 =	vmax.f32 v12, $0.0e+00;
	v10 =	vmax.f32 v13, $0.0e+00  }
0xf7: {  	v11 =	vadd.f32 v11, v28;
	v15 =	vld [tilespmem:s12+$0xDC00];
	v19 =	vmul.f32 v10, v9  }
0xf8: {  	v13 =	vld [tilespmem:s12+$0x11800]  }
0xf9: {  	v9 =	vld [tilespmem:s12+$0x10400];
	v10 =	vsub.f32 v11, v19;
	_ =	sdelay $0x1  }
0xfa: {  	s10 =	simm.s32 $0x20;
	v24 =	vld [tilespmem:s12+$0x12C00];
	v10 =	vmax.f32 v10, $9.999999930e-09  }
0xfb: {  	v35 =	vld [tilespmem:s10+$0x12C00];
	(erf) = vrcp.f32 v10  }
0xfc: {  	v20 =	vmax.f32 v18, v25;
	v11 =	vmin.f32 v13, v21;
	v10 =	vld [tilespmem:s10+$0x11800]  }
0xfd: {  	s11 =	simm.s32 $0x0;
	v26 =	vmax.f32 v15, v23;
	v12 =	vmin.f32 v9, v22;
	v30 =	vsub.f32 v11, v20;
	v11 =	vld [tilespmem:s10+$0x10400]  }
0xfe: {  	s11 =	scvt.s32.f32 s11;
	v20 =	vld [tilespmem:s10+$0xF000];
	v26 =	vsub.f32 v12, v26  }
0xff: {  	v12 =	vld [tilespmem:s10+$0xDC00]  }
0x100: {  	v31 =	vimm.f32 $-1.000000020e+30;
	s14 =	smul.f32 $1.600000000e+01, s11;
	v30 =	vmax.f32 v30, $0.0e+00;
	v26 =	vmax.f32 v26, $0.0e+00  }
0x101: {  	v32 =	vimm.f32 $1.000000000e+09;
	s15 =	simm.s32 $0x1;
	v24 =	vadd.f32 v24, v28;
	v34 =	vmul.f32 v30, v26  }
0x102: {  	v41 =	vimm.f32 $0.0e+00;
	s31 =	scvt.s32.f32 s15;
	s11 =	simm.s32 $0x30;
	v33 =	vadd.f32 s14, v4;
	v60 =	vadd.f32 v35, v28;
	v30 =	vld [tilespmem:s13+$0x14000]  }
0x103: {  	v26 =	vld [tilespmem:s11+$0x11800];
	v39 =	vmin.f32 v10, v21;
	v40 =	vmax.f32 v20, v25;
	v37 =	vsub.f32 v24, v34  }
0x104: {  	s14 =	smul.f32 $1.600000000e+01, s31;
	v36 =	vmin.f32 v11, v22;
	v24 =	vld [tilespmem:s11+$0x10400];
	v39 =	vsub.f32 v39, v40;
	v58 =	vmax.f32 v12, v23;
	v38 =	vpop (erf)  }
0x105: {  	v40 =	vimm.f32 $0.0e+00;
	v37 =	vmax.f32 v37, $9.999999930e-09;
	v38 =	vmul.f32 v38, v19  }
0x106: {  	v59 =	vsub.f32 v36, v58;
	v36 =	vadd.f32 s14, v4;
	(erf) = vrcp.f32 v37;
	v19 =	vld [tilespmem:s11+$0xF000]  }
0x107: {  	v61 =	vmax.f32 v39, $0.0e+00;
	v39 =	vimm.f32 $0.0e+00;
	vm6 =	vge.f32 v38, $5.000000000e-01  }
0x108: {  	v35 =	vld [tilespmem:s13+$0x16800];
	v62 =	vmin.f32 v26, v21;
	v43 =	vsel vm6, $0xF149F2CA, v30;
	v30 =	vmax.f32 v59, $0.0e+00  }
0x109: {  	v37 =	vimm.f32 $0.0e+00;
	v45 =	vmin.f32 v24, v22;
	v48 =	vmul.f32 v61, v30;
	v30 =	vld [tilespmem:s11+$0xDC00]  }
0x10a: {  	v44 =	vld [tilespmem:s13+$0x15400];
	v38 =	vimm.f32 $0.0e+00;
	vm6 =	vlt.f32 v33, v32;
	vm7 =	veq.f32 v43, v31  }
0x10b: {  	v42 =	vld [tilespmem:s11+$0x12C00];
	vm8 =	vgt.f32 v43, v31;
	[tilespmem:s13+$0x14000] =	vst v43;
	v63 =	vmax.f32 v19, v25;
	vm6 =	vmand vm6, vm7  }
0x10c: {  	s15 =	simm.s32 $0x100;
	s13 =	simm.s32 $0x2;
	v46 =	vld [tilespmem:s12+$0x14000];
	v47 =	vsub.f32 v62, v63;
	v49 =	vsub.f32 v60, v48;
	vm6 =	vmor vm8, vm6  }
.LBB2_8:
0x10d: {  	v31 =	vsel vm6, v43, v31;
	v32 =	vsel vm6, v33, v32;
	v16 =	vsel vm6, v35, v16;
	s14 =	smov.u32 s15  }
0x10e: {  	s16 =	sshra.s32 s15, $0x2;
	s17 =	scvt.s32.f32 s13;
	v35 =	vld [tilespmem:s12+$0x16800];
	v50 =	vmovc v12;
	v12 =	vmovc v30;
	v33 =	vmov v36;
	v30 =	vmov v34;
	v34 =	vmov v48;
	s14 =	sadd.s32 $0x40, s15  }
0x10f: {  	p0 =	sne.s32 s15, $0x4FC0;
	v40 =	vsel vm6, v27, v40;
	v36 =	vmax.f32 v49, $9.999999930e-09;
	v41 =	vsel vm6, v44, v41;
	v48 =	vld [tilespmem:s16+$0x11800];
	v43 =	vpop (erf)  }
0x110: {  	v39 =	vsel vm6, v14, v39;
	v14 =	vmovc v13;
	v13 =	vmovc v10;
	s15 =	smul.f32 $1.600000000e+01, s17;
	v49 =	vld [tilespmem:s16+$0x10400];
	(erf) = vrcp.f32 v36;
	v44 =	vmul.f32 v43, v30  }
0x111: {  	v37 =	vsel vm6, v29, v37;
	v38 =	vsel vm6, v17, v38;
	v10 =	vmovc v26;
	v36 =	vmax.f32 v12, v23;
	v51 =	vld [tilespmem:s16+$0xF000]  }
0x112: {  	v17 =	vmovc v9;
	v9 =	vmovc v11;
	v45 =	vsub.f32 v45, v36;
	v36 =	vadd.f32 s15, v4;
	v30 =	vld [tilespmem:s16+$0xDC00];
	vm6 =	vge.f32 v44, $5.000000000e-01  }
.Ltmp3:
0x113: {  	v29 =	vadd.f32 v42, v28;
	v11 =	vmovc v24;
	v27 =	vmovc v18;
	v42 =	vld [tilespmem:s16+$0x12C00];
	v43 =	vsel vm6, $0xF149F2CA, v46;
	vm6 =	vlt.f32 v33, v32;
	(pc) =	sbr.rel @p0 .LBB2_8-.Ltmp3, $4  }
0x114: {  	v18 =	vmovc v20;
	v52 =	vmax.f32 v45, $0.0e+00;
	v46 =	vmax.f32 v47, $0.0e+00;
	[tilespmem:s12+$0x14000] =	vst v43;
	v44 =	vld [tilespmem:s12+$0x15400];
	vm7 =	veq.f32 v43, v31;
	v26 =	vmovc v48;
	s12 =	smov.u32 s10;
	s10 =	smov.u32 s11;
	s11 =	smov.u32 s16  }
0x115: {  	v48 =	vmul.f32 v46, v52;
	v45 =	vmin.f32 v49, v22;
	v47 =	vmin.f32 v26, v21;
	v24 =	vmovc v49  }
0x116: {  	v20 =	vmovc v19;
	vm8 =	vgt.f32 v43, v31;
	vm6 =	vmand vm6, vm7;
	v49 =	vmax.f32 v51, v25;
	v46 =	vld [tilespmem:s12+$0x14000];
	v19 =	vmovc v51  }
0x117: {  	s13 =	sadd.s32 $0x1, s13;
	s15 =	smov.u32 s14;
	vm6 =	vmor vm8, vm6;
	v47 =	vsub.f32 v47, v49;
	v49 =	vsub.f32 v29, v48;
	v29 =	vmovc v15;
	v15 =	vmovc v50  }
0x118: {  	_ = 	snop  }
0x119: {  	v21 =	vmax.f32 v30, v23;
	v22 =	vmax.f32 v49, $9.999999930e-09  }
0x11a: {  	v21 =	vsub.f32 v45, v21;
	(erf) = vrcp.f32 v22;
	_ =	sdelay $0x1  }
0x11b: {  	v62 =	vmax.f32 v47, $0.0e+00;
	v63 =	vpop (erf);
	v21 =	vmax.f32 v21, $0.0e+00  }
0x11c: {  	v25 =	vadd.f32 v42, v28;
	v34 =	vmul.f32 v63, v34;
	v21 =	vmul.f32 v62, v21;
	_ =	sdelay $0x1  }
0x11d: {  	vm7 =	vge.f32 v34, $5.000000000e-01;
	v42 =	vsub.f32 v25, v21  }
0x11e: {  	v47 =	vsel vm7, $0xF149F2CA, v46  }
0x11f: {  	[tilespmem:s12+$0x14000] =	vst v47;
	v23 =	vmax.f32 v42, $9.999999930e-09  }
0x120: {  	v49 =	vld [tilespmem:s10+$0x14000];
	(erf) = vrcp.f32 v23  }
0x121: {  	v50 =	vpop (erf)  }
0x122: {  	v28 =	vmul.f32 v50, v48  }
0x123: {  	v31 =	vsel vm6, v43, v31;
	v32 =	vsel vm6, v33, v32;
	v16 =	vsel vm6, v35, v16;
	v52 =	vld [tilespmem:s12+$0x15400]  }
0x124: {  	s14 =	scvt.s32.f32 s13;
	v27 =	vsel vm6, v27, v40;
	v14 =	vsel vm6, v14, v39;
	v45 =	vld [tilespmem:s12+$0x16800];
	vm7 =	vge.f32 v28, $5.000000000e-01  }
0x125: {  	vm8 =	vlt.f32 v36, v32;
	v23 =	vsel vm7, $0xF149F2CA, v49;
	vm7 =	veq.f32 v47, v31  }
0x126: {  	v29 =	vsel vm6, v29, v37;
	s30 =	smul.f32 $1.600000000e+01, s14;
	vm14 =	vgt.f32 v47, v31;
	vm7 =	vmand vm8, vm7  }
0x127: {  	v17 =	vsel vm6, v17, v38;
	v51 =	vsel vm6, v44, v41;
	[tilespmem:s10+$0x14000] =	vst v23;
	vm6 =	vmor vm14, vm7  }
0x128: {  	s31 =	sadd.s32 $0x1, s13;
	v55 =	vadd.f32 s30, v4;
	v54 =	vld [tilespmem:s11+$0x14000];
	v25 =	vsel vm6, v47, v31;
	v56 =	vsel vm6, v36, v32  }
0x129: {  	s12 =	scvt.s32.f32 s31;
	v53 =	vld [tilespmem:s10+$0x16800];
	v57 =	vpop (erf);
	v16 =	vsel vm6, v45, v16;
	v18 =	vsel vm6, v18, v27;
	v58 =	vsel vm6, v52, v51  }
0x12a: {  	v13 =	vsel vm6, v13, v14;
	v15 =	vsel vm6, v15, v29;
	v21 =	vmul.f32 v57, v21  }
0x12b: {  	s12 =	smul.f32 $1.600000000e+01, s12;
	v9 =	vsel vm6, v9, v17;
	vm7 =	vlt.f32 v55, v56;
	vm15 =	veq.f32 v23, v25  }
0x12c: {  	v59 =	vld [tilespmem:s11+$0x16800];
	vm13 =	vgt.f32 v23, v25;
	vm7 =	vmand vm7, vm15;
	vm12 =	vge.f32 v21, $5.000000000e-01  }
0x12d: {  	v14 =	vld [tilespmem:s10+$0x15400];
	v17 =	vadd.f32 s12, v4;
	vm6 =	vmor vm13, vm7;
	v21 =	vsel vm12, $0xF149F2CA, v54  }
0x12e: {  	s9 =	sadd.s32 $0x1, s9;
	v61 =	vld [tilespmem:s11+$0x15400];
	v23 =	vsel vm6, v23, v25;
	v60 =	vsel vm6, v55, v56;
	v16 =	vsel vm6, v53, v16  }
0x12f: {  	p0 =	sne.s32 s9, $0x64;
	v18 =	vsel vm6, v20, v18;
	vm7 =	vlt.f32 v17, v60;
	vm14 =	veq.f32 v21, v23  }
.Ltmp4:
0x130: {  	v62 =	vsel vm6, v10, v13;
	vm15 =	vgt.f32 v21, v23;
	vm7 =	vmand vm7, vm14;
	(pc) =	sbr.rel @p0 .LBB2_7-.Ltmp4, $4  }
0x131: {  	v15 =	vsel vm6, v12, v15;
	v63 =	vsel vm6, v11, v9;
	vm7 =	vmor vm15, vm7  }
0x132: {  	v14 =	vsel vm6, v14, v58;
	v9 =	vsel vm7, v21, v23;
	v10 =	vsel vm7, v17, v60  }
0x133: {  	v11 =	vsel vm7, v59, v16;
	v13 =	vsel vm7, v19, v18;
	v12 =	vsel vm7, v61, v14  }
0x134: {  	[tilespmem:s11+$0x14000] =	vst v21;
	v14 =	vsel vm7, v26, v62;
	v15 =	vsel vm7, v30, v15;
	v16 =	vsel vm7, v24, v63  }
0x135: {  	s8 =	sadd.s32 $0x1, s8  }
0x136: {  	p0 =	sne.s32 s8, s4  }
.Ltmp5:
0x137: {  	_ = 	snop;
	(pc) =	sbr.rel @p0 .LBB2_2-.Ltmp5, $4  }
0x138: {  	[hbm4b:s3+s5] =	stream.linear.scatter [tilespmem:s7], [sflag:$0x1], $0x3200, $0x38;
	[tilespmem:$0x1B000] =	vst v63  }
0x139: {  	_ =	swait.ge [sflag:s6], $0x3200  }
0x13a: {  	[sflag:s6] =	ssyncset.done $0x0  }
0x13b: {  	[sflag:s6] =	ssyncadd.s32 $0xFFFFCE00  }
.LBB2_11:
0x13c: {  	_ =	sfence.sel $0x180000  }
0x13d: {  	[bflag:$0x0] =	sbarrier.arrive $0xFFFF  }
0x13e: {  	p0 =	sne.s32 s1, $0x0;
	_ =	strace $0x90000047  }
0x13f: {  	s0 =	sadd.s32 @!p0 $0x100000, s0;
	[bflag:$0x2] =	sbarrier.arrive $0xFFFF  }
0x140: {  	[sflag:s0] =	ssyncadd.tile.s32 @!p0 $0x1;
	_ =	shalt  }
.Lfunc_end2:
_tile_overlayer_lowered:
.L_overlay_start_2:
0x141: {  	(tag) =	ssettag $0x2  }
0x142: {  	s0 =	rddreg [dreg:$0x0];
	s2 =	stileid.u32  }
0x143: {  	s1 =	rddreg [dreg:$0x1];
	p0 =	sne.s32 s2, $0x0  }
0x144: {  	s3 =	rddreg [dreg:$0x2];
	[bflag:$0x3] =	sbarrier.arrive $0xFFFF;
	s2 =	simm.s32 @!p0 $0x1C01  }
0x145: {  	[timem:s3], [sflag:s2] =	dma.local @!p0 [hbm:s0], s1  }
0x146: {  	s0 =	simm.s32 @!p0 $0x1  }
0x147: {  	_ =	swait.ge @!p0 [sflag:s0], s1  }
0x148: {  	s1 =	ssub.s32 @!p0 $0x0, s1;
	[sflag:s0] =	ssyncset.done @!p0 $0x0  }
0x149: {  	[sflag:s0] =	ssyncadd.s32 @!p0 s1  }
0x14a: {  	[bflag:$0x3] =	sbarrier.arrive $0xFFFF  }
0x14b: {  	_ =	shalt  }

</sc_bundles>
